<compile_context>
chip_gen: v7x
topology: tpu7x:2x2x1
jax: 0.10.2.dev20260603
libtpu: 0.0.44.dev20260713+nightly
codegen_flags: <defaults>
</compile_context>

<pallas_src>
import functools

import jax
import jax.numpy as jnp
from jax import lax
from jax.experimental import pallas as pl
from jax.experimental.pallas import tpu as pltpu
from jax.experimental.pallas import tpu_sc as plsc

B = 4096
D = 32
LANES = 16

_info = plsc.get_sparse_core_info()
_NC, _NS = _info.num_cores, _info.num_subcores
_NW = _NC * _NS
_BPW = B // _NW
_NB = 8
_NG = _BPW // _NB

_mesh = plsc.VectorSubcoreMesh(core_axis_name="c", subcore_axis_name="s")


@functools.partial(
    pl.kernel,
    mesh=_mesh,
    compiler_params=pltpu.CompilerParams(needs_layout_passes=False),
    out_type=[
        jax.ShapeDtypeStruct((B, D), jnp.float32),
        jax.ShapeDtypeStruct((D, B), jnp.float32),
    ],
    scratch_types=[
        pltpu.VMEM((_BPW + LANES,), jnp.int32),
        pltpu.VMEM((_BPW + LANES,), jnp.int32),
        pltpu.VMEM((_NB, D, 128), jnp.float32),
        pltpu.VMEM((_NB, D, 128), jnp.float32),
        pltpu.VMEM((_BPW, D), jnp.float32),
        pltpu.VMEM((D, _BPW), jnp.float32),
        [pltpu.SemaphoreType.DMA] * _NB,
        [pltpu.SemaphoreType.DMA] * _NB,
    ],
)
def _sc_gather(uidx_hbm, tidx_hbm, ut_hbm, vt_hbm, uout_hbm, tout_hbm,
               uidx_v, tidx_v, ubuf, tbuf, uoutR, toutT, usems, tsems):
    wid = lax.axis_index("s") * _NC + lax.axis_index("c")
    base = wid * _BPW
    pltpu.sync_copy(uidx_hbm.at[pl.ds(base, _BPW)], uidx_v.at[pl.ds(0, _BPW)])
    pltpu.sync_copy(tidx_hbm.at[pl.ds(base, _BPW)], tidx_v.at[pl.ds(0, _BPW)])

    def _fetch(ju, jt, b):
        cu = pl.multiple_of(jnp.bitwise_and(ju, -128), 128)
        ct = pl.multiple_of(jnp.bitwise_and(jt, -128), 128)
        pltpu.async_copy(ut_hbm.at[:, pl.ds(cu, 128)], ubuf.at[b], usems[b])
        pltpu.async_copy(vt_hbm.at[:, pl.ds(ct, 128)], tbuf.at[b], tsems[b])

    def _drain(b):
        pltpu.make_async_copy(ut_hbm.at[:, pl.ds(0, 128)], ubuf.at[b], usems[b]).wait()
        pltpu.make_async_copy(vt_hbm.at[:, pl.ds(0, 128)], tbuf.at[b], tsems[b]).wait()

    iota_lo = lax.iota(jnp.int32, LANES)
    iota_hi = iota_lo + LANES

    def _select_row(b, lane, k):
        lane_v = jnp.full((LANES,), lane, jnp.int32)
        lo = plsc.load_gather(ubuf.at[b], [iota_lo, lane_v])
        hi = plsc.load_gather(ubuf.at[b], [iota_hi, lane_v])
        uoutR[k, pl.ds(0, LANES)] = lo
        uoutR[k, pl.ds(LANES, LANES)] = hi

    def _select_col(b, lane, k):
        lane_v = jnp.full((LANES,), lane, jnp.int32)
        k_v = jnp.full((LANES,), k, jnp.int32)
        lo = plsc.load_gather(tbuf.at[b], [iota_lo, lane_v])
        hi = plsc.load_gather(tbuf.at[b], [iota_hi, lane_v])
        plsc.store_scatter(toutT, [iota_lo, k_v], lo)
        plsc.store_scatter(toutT, [iota_hi, k_v], hi)

    uvec0 = uidx_v[pl.ds(0, LANES)]
    tvec0 = tidx_v[pl.ds(0, LANES)]
    for b in range(_NB):
        _fetch(uvec0[b], tvec0[b], b)

    def group(g, carry):
        uvec = uidx_v[pl.ds(g * _NB, LANES)]
        tvec = tidx_v[pl.ds(g * _NB, LANES)]
        for b in range(_NB):
            k = g * _NB + b
            _drain(b)
            _select_row(b, jnp.bitwise_and(uvec[b], 127), k)
            _select_col(b, jnp.bitwise_and(tvec[b], 127), k)

            @pl.when(k + _NB < _BPW)
            def _():
                _fetch(uvec[b + _NB], tvec[b + _NB], b)

        return carry

    lax.fori_loop(0, _NG, group, 0)
    pltpu.sync_copy(uoutR, uout_hbm.at[pl.ds(base, _BPW), :])
    pltpu.sync_copy(toutT, tout_hbm.at[:, pl.ds(base, _BPW)])


def _mm_body(a_ref, b_ref, o_ref):
    o_ref[...] = lax.dot_general(
        a_ref[...], b_ref[...],
        dimension_numbers=(((1,), (0,)), ((), ())),
        preferred_element_type=jnp.float32,
    )


_BM = 512


def _tc_matmul(u_ebd, t_ebd_t):
    return pl.pallas_call(
        _mm_body,
        grid=(B // _BM,),
        in_specs=[
            pl.BlockSpec((_BM, D), lambda i: (i, 0)),
            pl.BlockSpec((D, B), lambda i: (0, 0)),
        ],
        out_specs=pl.BlockSpec((_BM, B), lambda i: (i, 0)),
        out_shape=jax.ShapeDtypeStruct((B, B), jnp.float32),
    )(u_ebd, t_ebd_t)


def kernel(user_indices, item_seq_indices, target_item_indices, target_domain, U, V):
    uidx = user_indices.astype(jnp.int32)
    tidx = target_item_indices.reshape(B).astype(jnp.int32)
    u_ebd, t_ebd_t = _sc_gather(uidx, tidx, U.T, V.T)
    return _tc_matmul(u_ebd, t_ebd_t)

# --- scband reference (transcript-rebuilt; emitter-appended) ---
"""Pipeline reference for scband-bpr-16518444220731 (READ-ONLY COPY).

The authoritative reference and input builder live on the scoring server;
editing this copy changes nothing except your own understanding.
"""

import jax, jax.numpy as jnp
import numpy as np

NUM_ITEMS = 1000000
NUM_SEQS = 1000000
DIMS = 32
B = 4096
L = 50


def setup_inputs(seed: int = 0) -> dict:
    key = jax.random.key(seed)
    k1, k2, k3, k4, k5 = jax.random.split(key, 5)
    # Embedding tables initialized normal(0, 1/dims), padding_idx=0 zeroed
    V = jax.random.normal(k1, (NUM_ITEMS, DIMS), dtype=jnp.float32) * (1.0 / DIMS)
    V = V.at[0].set(0.0)
    U = jax.random.normal(k2, (NUM_SEQS, DIMS), dtype=jnp.float32) * (1.0 / DIMS)
    U = U.at[0].set(0.0)
    user_indices = jax.random.randint(k3, (B,), 0, NUM_SEQS, dtype=jnp.int64 if jax.config.jax_enable_x64 else jnp.int32)
    item_seq_indices = jax.random.randint(k4, (B, L), 0, NUM_ITEMS, dtype=jnp.int32)
    target_item_indices = jax.random.randint(k5, (B, 1), 0, NUM_ITEMS, dtype=jnp.int32)
    return {
        "user_indices": user_indices,
        "item_seq_indices": item_seq_indices,
        "target_item_indices": target_item_indices,
        "target_domain": 0,
        "U": U,
        "V": V,
    }


def reference(user_indices, item_seq_indices, target_item_indices, target_domain, U, V):
    # graph_convolution: ebd = cat(U, V); graph layers are commented out in source -> g_ebd = ebd
    ebd = jnp.concatenate([U, V], axis=0)
    user_ebd = jnp.take(ebd, user_indices, axis=0)                      # (B, dims)
    tgt_ebd = jnp.take(ebd, NUM_SEQS + target_item_indices, axis=0)     # (B, 1, dims)
    score = user_ebd @ jnp.squeeze(tgt_ebd, axis=1).T                   # (B, B)
    return score

if __name__ == "__main__":
    import jax
    _d = setup_inputs()
    print(jax.jit(kernel)(*tuple(_d.values())))

</pallas_src>

<mosaic_0001>
#map = affine_map<(d0, d1) -> (0)>
#map1 = affine_map<(d0, d1) -> (0, 0)>
module attributes {stable_mosaic.version = 14 : i64} {
  func.func @_sc_gather(%arg0: i32, %arg1: i32, %arg2: memref<4096xi32, #tpu.memory_space<hbm>>, %arg3: memref<4096xi32, #tpu.memory_space<hbm>>, %arg4: memref<32x1000000xf32, #tpu.memory_space<hbm>>, %arg5: memref<32x1000000xf32, #tpu.memory_space<hbm>>, %arg6: memref<4096x32xf32, #tpu.memory_space<hbm>>, %arg7: memref<32x4096xf32, #tpu.memory_space<hbm>>, %arg8: memref<144xi32, #tpu.memory_space<vmem>>, %arg9: memref<144xi32, #tpu.memory_space<vmem>>, %arg10: memref<8x32x128xf32, #tpu.memory_space<vmem>>, %arg11: memref<8x32x128xf32, #tpu.memory_space<vmem>>, %arg12: memref<128x32xf32, #tpu.memory_space<vmem>>, %arg13: memref<32x128xf32, #tpu.memory_space<vmem>>, %arg14: memref<!tpu.dma_semaphore, #tpu.memory_space<semaphore_mem>>, %arg15: memref<!tpu.dma_semaphore, #tpu.memory_space<semaphore_mem>>, %arg16: memref<!tpu.dma_semaphore, #tpu.memory_space<semaphore_mem>>, %arg17: memref<!tpu.dma_semaphore, #tpu.memory_space<semaphore_mem>>, %arg18: memref<!tpu.dma_semaphore, #tpu.memory_space<semaphore_mem>>, %arg19: memref<!tpu.dma_semaphore, #tpu.memory_space<semaphore_mem>>, %arg20: memref<!tpu.dma_semaphore, #tpu.memory_space<semaphore_mem>>, %arg21: memref<!tpu.dma_semaphore, #tpu.memory_space<semaphore_mem>>, %arg22: memref<!tpu.dma_semaphore, #tpu.memory_space<semaphore_mem>>, %arg23: memref<!tpu.dma_semaphore, #tpu.memory_space<semaphore_mem>>, %arg24: memref<!tpu.dma_semaphore, #tpu.memory_space<semaphore_mem>>, %arg25: memref<!tpu.dma_semaphore, #tpu.memory_space<semaphore_mem>>, %arg26: memref<!tpu.dma_semaphore, #tpu.memory_space<semaphore_mem>>, %arg27: memref<!tpu.dma_semaphore, #tpu.memory_space<semaphore_mem>>, %arg28: memref<!tpu.dma_semaphore, #tpu.memory_space<semaphore_mem>>, %arg29: memref<!tpu.dma_semaphore, #tpu.memory_space<semaphore_mem>>) attributes {dimension_semantics = [#tpu.dimension_semantics<core_parallel>, #tpu.dimension_semantics<subcore_parallel>], iteration_bounds = array<i64: 2, 16>, scalar_prefetch = 0 : i64, scratch_operands = 22 : i64, tpu.core_type = #tpu.core_type<sc_vector_subcore>, window_params = [{transform_indices = #map}, {transform_indices = #map}, {transform_indices = #map1}, {transform_indices = #map1}, {transform_indices = #map1}, {transform_indices = #map1}]} {
    %mul3A = arith.constant 2 : i32
    %mul3A_0 = arith.muli %arg1, %mul3A : i32
    %add3A = arith.addi %mul3A_0, %arg0 : i32
    %mul3A_1 = arith.constant 128 : i32
    %mul3A_2 = arith.muli %add3A, %mul3A_1 : i32
    "tpu.region"() ({
      %run_scoped3A = tpu.sem_alloc : memref<!tpu.dma_semaphore, #tpu.memory_space<semaphore_mem>>
      %dma_start3A_297 = arith.constant 0 : i32
      %dma_start3A_298 = tpu.memref_slice %arg8[%dma_start3A_297] : memref<144xi32, #tpu.memory_space<vmem>> -> memref<128xi32, #tpu.memory_space<vmem>>
      %dma_start3A_299 = tpu.memref_slice %arg2[%mul3A_2] : memref<4096xi32, #tpu.memory_space<hbm>> -> memref<128xi32, #tpu.memory_space<hbm>>
      %dma_start3A_300 = arith.constant 0 : i32
      %dma_start3A_301 = tpu.memref_slice %arg8[%dma_start3A_300] : memref<144xi32, #tpu.memory_space<vmem>> -> memref<128xi32, #tpu.memory_space<vmem>>
      %dma_start3A_302 = tpu.memref_slice %arg2[%mul3A_2] : memref<4096xi32, #tpu.memory_space<hbm>> -> memref<128xi32, #tpu.memory_space<hbm>>
      tpu.enqueue_dma source(%dma_start3A_302 : memref<128xi32, #tpu.memory_space<hbm>>) target(%dma_start3A_301 : memref<128xi32, #tpu.memory_space<vmem>>) target_semaphore(%run_scoped3A : memref<!tpu.dma_semaphore, #tpu.memory_space<semaphore_mem>>)
      %dma_wait3A = arith.constant 0 : i32
      %dma_wait3A_303 = tpu.memref_slice %arg8[%dma_wait3A] : memref<144xi32, #tpu.memory_space<vmem>> -> memref<128xi32, #tpu.memory_space<vmem>>
      %dma_wait3A_304 = tpu.memref_slice %arg2[%mul3A_2] : memref<4096xi32, #tpu.memory_space<hbm>> -> memref<128xi32, #tpu.memory_space<hbm>>
      %dma_wait3A_305 = arith.constant 0 : i32
      %dma_wait3A_306 = tpu.memref_slice %arg8[%dma_wait3A_305] : memref<144xi32, #tpu.memory_space<vmem>> -> memref<128xi32, #tpu.memory_space<vmem>>
      %dma_wait3A_307 = tpu.memref_slice %arg2[%mul3A_2] : memref<4096xi32, #tpu.memory_space<hbm>> -> memref<128xi32, #tpu.memory_space<hbm>>
      tpu.wait_dma2 semaphore(%run_scoped3A : memref<!tpu.dma_semaphore, #tpu.memory_space<semaphore_mem>>) src(%dma_wait3A_307 : memref<128xi32, #tpu.memory_space<hbm>>) dst(%dma_wait3A_306 : memref<128xi32, #tpu.memory_space<vmem>>)
      tpu.yield
    }) : () -> ()
    "tpu.region"() ({
      %run_scoped3A = tpu.sem_alloc : memref<!tpu.dma_semaphore, #tpu.memory_space<semaphore_mem>>
      %dma_start3A_297 = arith.constant 0 : i32
      %dma_start3A_298 = tpu.memref_slice %arg9[%dma_start3A_297] : memref<144xi32, #tpu.memory_space<vmem>> -> memref<128xi32, #tpu.memory_space<vmem>>
      %dma_start3A_299 = tpu.memref_slice %arg3[%mul3A_2] : memref<4096xi32, #tpu.memory_space<hbm>> -> memref<128xi32, #tpu.memory_space<hbm>>
      %dma_start3A_300 = arith.constant 0 : i32
      %dma_start3A_301 = tpu.memref_slice %arg9[%dma_start3A_300] : memref<144xi32, #tpu.memory_space<vmem>> -> memref<128xi32, #tpu.memory_space<vmem>>
      %dma_start3A_302 = tpu.memref_slice %arg3[%mul3A_2] : memref<4096xi32, #tpu.memory_space<hbm>> -> memref<128xi32, #tpu.memory_space<hbm>>
      tpu.enqueue_dma source(%dma_start3A_302 : memref<128xi32, #tpu.memory_space<hbm>>) target(%dma_start3A_301 : memref<128xi32, #tpu.memory_space<vmem>>) target_semaphore(%run_scoped3A : memref<!tpu.dma_semaphore, #tpu.memory_space<semaphore_mem>>)
      %dma_wait3A = arith.constant 0 : i32
      %dma_wait3A_303 = tpu.memref_slice %arg9[%dma_wait3A] : memref<144xi32, #tpu.memory_space<vmem>> -> memref<128xi32, #tpu.memory_space<vmem>>
      %dma_wait3A_304 = tpu.memref_slice %arg3[%mul3A_2] : memref<4096xi32, #tpu.memory_space<hbm>> -> memref<128xi32, #tpu.memory_space<hbm>>
      %dma_wait3A_305 = arith.constant 0 : i32
      %dma_wait3A_306 = tpu.memref_slice %arg9[%dma_wait3A_305] : memref<144xi32, #tpu.memory_space<vmem>> -> memref<128xi32, #tpu.memory_space<vmem>>
      %dma_wait3A_307 = tpu.memref_slice %arg3[%mul3A_2] : memref<4096xi32, #tpu.memory_space<hbm>> -> memref<128xi32, #tpu.memory_space<hbm>>
      tpu.wait_dma2 semaphore(%run_scoped3A : memref<!tpu.dma_semaphore, #tpu.memory_space<semaphore_mem>>) src(%dma_wait3A_307 : memref<128xi32, #tpu.memory_space<hbm>>) dst(%dma_wait3A_306 : memref<128xi32, #tpu.memory_space<vmem>>)
      tpu.yield
    }) : () -> ()
    %iota3A = tpu.iota {dimensions = array<i32: 0>} : vector<16xi32>
    %add3A_3 = arith.constant 16 : i32
    %add3A_4 = vector.broadcast %add3A_3 : i32 to vector<16xi32>
    %add3A_5 = arith.addi %iota3A, %add3A_4 : vector<16xi32>
    %get3A = arith.constant 0 : index
    %get3A_6 = tpu.vector_load %arg8[%get3A] {strides = array<i32>} : memref<144xi32, #tpu.memory_space<vmem>>, vector<16xi32>,
    %get3A_7 = arith.constant 0 : index
    %get3A_8 = tpu.vector_load %arg9[%get3A_7] {strides = array<i32>} : memref<144xi32, #tpu.memory_space<vmem>>, vector<16xi32>,
    %slice3A = vector.extract_strided_slice %get3A_6 {offsets = [0], sizes = [1], strides = [1]} : vector<16xi32> to vector<1xi32>
    %squeeze3A = vector.extract %slice3A[0] : i32 from vector<1xi32>
    %slice3A_9 = vector.extract_strided_slice %get3A_8 {offsets = [0], sizes = [1], strides = [1]} : vector<16xi32> to vector<1xi32>
    %squeeze3A_10 = vector.extract %slice3A_9[0] : i32 from vector<1xi32>
    %and3A = arith.constant -128 : i32
    %and3A_11 = arith.andi %squeeze3A, %and3A : i32
    %multiple_of3A = tpu.assume_multiple %and3A_11, 128 : i32
    %and3A_12 = arith.constant -128 : i32
    %and3A_13 = arith.andi %squeeze3A_10, %and3A_12 : i32
    %multiple_of3A_14 = tpu.assume_multiple %and3A_13, 128 : i32
    %dma_start3A = arith.constant 0 : i32
    %dma_start3A_15 = arith.constant 0 : i32
    %dma_start3A_16 = arith.constant 0 : i32
    %dma_start3A_17 = tpu.memref_slice %arg10[%dma_start3A, %dma_start3A_15, %dma_start3A_16] : memref<8x32x128xf32, #tpu.memory_space<vmem>> -> memref<1x32x128xf32, #tpu.memory_space<vmem>>
    %dma_start3A_18 = tpu.memref_squeeze %dma_start3A_17 : memref<1x32x128xf32, #tpu.memory_space<vmem>> -> memref<32x128xf32, #tpu.memory_space<vmem>>
    %dma_start3A_19 = arith.constant 0 : i32
    %dma_start3A_20 = tpu.memref_slice %arg4[%dma_start3A_19, %multiple_of3A] : memref<32x1000000xf32, #tpu.memory_space<hbm>> -> memref<32x128xf32, #tpu.memory_space<hbm>>
    %dma_start3A_21 = arith.constant 0 : i32
    %dma_start3A_22 = arith.constant 0 : i32
    %dma_start3A_23 = tpu.memref_slice %arg10[%dma_start3A, %dma_start3A_21, %dma_start3A_22] : memref<8x32x128xf32, #tpu.memory_space<vmem>> -> memref<1x32x128xf32, #tpu.memory_space<vmem>>
    %dma_start3A_24 = tpu.memref_squeeze %dma_start3A_23 : memref<1x32x128xf32, #tpu.memory_space<vmem>> -> memref<32x128xf32, #tpu.memory_space<vmem>>
    %dma_start3A_25 = arith.constant 0 : i32
    %dma_start3A_26 = tpu.memref_slice %arg4[%dma_start3A_25, %multiple_of3A] : memref<32x1000000xf32, #tpu.memory_space<hbm>> -> memref<32x128xf32, #tpu.memory_space<hbm>>
    tpu.enqueue_dma source(%dma_start3A_26 : memref<32x128xf32, #tpu.memory_space<hbm>>) target(%dma_start3A_24 : memref<32x128xf32, #tpu.memory_space<vmem>>) target_semaphore(%arg14 : memref<!tpu.dma_semaphore, #tpu.memory_space<semaphore_mem>>)
    %dma_start3A_27 = arith.constant 0 : i32
    %dma_start3A_28 = arith.constant 0 : i32
    %dma_start3A_29 = arith.constant 0 : i32
    %dma_start3A_30 = tpu.memref_slice %arg11[%dma_start3A_27, %dma_start3A_28, %dma_start3A_29] : memref<8x32x128xf32, #tpu.memory_space<vmem>> -> memref<1x32x128xf32, #tpu.memory_space<vmem>>
    %dma_start3A_31 = tpu.memref_squeeze %dma_start3A_30 : memref<1x32x128xf32, #tpu.memory_space<vmem>> -> memref<32x128xf32, #tpu.memory_space<vmem>>
    %dma_start3A_32 = arith.constant 0 : i32
    %dma_start3A_33 = tpu.memref_slice %arg5[%dma_start3A_32, %multiple_of3A_14] : memref<32x1000000xf32, #tpu.memory_space<hbm>> -> memref<32x128xf32, #tpu.memory_space<hbm>>
    %dma_start3A_34 = arith.constant 0 : i32
    %dma_start3A_35 = arith.constant 0 : i32
    %dma_start3A_36 = tpu.memref_slice %arg11[%dma_start3A_27, %dma_start3A_34, %dma_start3A_35] : memref<8x32x128xf32, #tpu.memory_space<vmem>> -> memref<1x32x128xf32, #tpu.memory_space<vmem>>
    %dma_start3A_37 = tpu.memref_squeeze %dma_start3A_36 : memref<1x32x128xf32, #tpu.memory_space<vmem>> -> memref<32x128xf32, #tpu.memory_space<vmem>>
    %dma_start3A_38 = arith.constant 0 : i32
    %dma_start3A_39 = tpu.memref_slice %arg5[%dma_start3A_38, %multiple_of3A_14] : memref<32x1000000xf32, #tpu.memory_space<hbm>> -> memref<32x128xf32, #tpu.memory_space<hbm>>
    tpu.enqueue_dma source(%dma_start3A_39 : memref<32x128xf32, #tpu.memory_space<hbm>>) target(%dma_start3A_37 : memref<32x128xf32, #tpu.memory_space<vmem>>) target_semaphore(%arg22 : memref<!tpu.dma_semaphore, #tpu.memory_space<semaphore_mem>>)
    %slice3A_40 = vector.extract_strided_slice %get3A_6 {offsets = [1], sizes = [1], strides = [1]} : vector<16xi32> to vector<1xi32>
    %squeeze3A_41 = vector.extract %slice3A_40[0] : i32 from vector<1xi32>
    %slice3A_42 = vector.extract_strided_slice %get3A_8 {offsets = [1], sizes = [1], strides = [1]} : vector<16xi32> to vector<1xi32>
    %squeeze3A_43 = vector.extract %slice3A_42[0] : i32 from vector<1xi32>
    %and3A_44 = arith.constant -128 : i32
    %and3A_45 = arith.andi %squeeze3A_41, %and3A_44 : i32
    %multiple_of3A_46 = tpu.assume_multiple %and3A_45, 128 : i32
    %and3A_47 = arith.constant -128 : i32
    %and3A_48 = arith.andi %squeeze3A_43, %and3A_47 : i32
    %multiple_of3A_49 = tpu.assume_multiple %and3A_48, 128 : i32
    %dma_start3A_50 = arith.constant 1 : i32
    %dma_start3A_51 = arith.constant 0 : i32
    %dma_start3A_52 = arith.constant 0 : i32
    %dma_start3A_53 = tpu.memref_slice %arg10[%dma_start3A_50, %dma_start3A_51, %dma_start3A_52] : memref<8x32x128xf32, #tpu.memory_space<vmem>> -> memref<1x32x128xf32, #tpu.memory_space<vmem>>
    %dma_start3A_54 = tpu.memref_squeeze %dma_start3A_53 : memref<1x32x128xf32, #tpu.memory_space<vmem>> -> memref<32x128xf32, #tpu.memory_space<vmem>>
    %dma_start3A_55 = arith.constant 0 : i32
    %dma_start3A_56 = tpu.memref_slice %arg4[%dma_start3A_55, %multiple_of3A_46] : memref<32x1000000xf32, #tpu.memory_space<hbm>> -> memref<32x128xf32, #tpu.memory_space<hbm>>
    %dma_start3A_57 = arith.constant 0 : i32
    %dma_start3A_58 = arith.constant 0 : i32
    %dma_start3A_59 = tpu.memref_slice %arg10[%dma_start3A_50, %dma_start3A_57, %dma_start3A_58] : memref<8x32x128xf32, #tpu.memory_space<vmem>> -> memref<1x32x128xf32, #tpu.memory_space<vmem>>
    %dma_start3A_60 = tpu.memref_squeeze %dma_start3A_59 : memref<1x32x128xf32, #tpu.memory_space<vmem>> -> memref<32x128xf32, #tpu.memory_space<vmem>>
    %dma_start3A_61 = arith.constant 0 : i32
    %dma_start3A_62 = tpu.memref_slice %arg4[%dma_start3A_61, %multiple_of3A_46] : memref<32x1000000xf32, #tpu.memory_space<hbm>> -> memref<32x128xf32, #tpu.memory_space<hbm>>
    tpu.enqueue_dma source(%dma_start3A_62 : memref<32x128xf32, #tpu.memory_space<hbm>>) target(%dma_start3A_60 : memref<32x128xf32, #tpu.memory_space<vmem>>) target_semaphore(%arg15 : memref<!tpu.dma_semaphore, #tpu.memory_space<semaphore_mem>>)
    %dma_start3A_63 = arith.constant 1 : i32
    %dma_start3A_64 = arith.constant 0 : i32
    %dma_start3A_65 = arith.constant 0 : i32
    %dma_start3A_66 = tpu.memref_slice %arg11[%dma_start3A_63, %dma_start3A_64, %dma_start3A_65] : memref<8x32x128xf32, #tpu.memory_space<vmem>> -> memref<1x32x128xf32, #tpu.memory_space<vmem>>
    %dma_start3A_67 = tpu.memref_squeeze %dma_start3A_66 : memref<1x32x128xf32, #tpu.memory_space<vmem>> -> memref<32x128xf32, #tpu.memory_space<vmem>>
    %dma_start3A_68 = arith.constant 0 : i32
    %dma_start3A_69 = tpu.memref_slice %arg5[%dma_start3A_68, %multiple_of3A_49] : memref<32x1000000xf32, #tpu.memory_space<hbm>> -> memref<32x128xf32, #tpu.memory_space<hbm>>
    %dma_start3A_70 = arith.constant 0 : i32
    %dma_start3A_71 = arith.constant 0 : i32
    %dma_start3A_72 = tpu.memref_slice %arg11[%dma_start3A_63, %dma_start3A_70, %dma_start3A_71] : memref<8x32x128xf32, #tpu.memory_space<vmem>> -> memref<1x32x128xf32, #tpu.memory_space<vmem>>
    %dma_start3A_73 = tpu.memref_squeeze %dma_start3A_72 : memref<1x32x128xf32, #tpu.memory_space<vmem>> -> memref<32x128xf32, #tpu.memory_space<vmem>>
    %dma_start3A_74 = arith.constant 0 : i32
    %dma_start3A_75 = tpu.memref_slice %arg5[%dma_start3A_74, %multiple_of3A_49] : memref<32x1000000xf32, #tpu.memory_space<hbm>> -> memref<32x128xf32, #tpu.memory_space<hbm>>
    tpu.enqueue_dma source(%dma_start3A_75 : memref<32x128xf32, #tpu.memory_space<hbm>>) target(%dma_start3A_73 : memref<32x128xf32, #tpu.memory_space<vmem>>) target_semaphore(%arg23 : memref<!tpu.dma_semaphore, #tpu.memory_space<semaphore_mem>>)
    %slice3A_76 = vector.extract_strided_slice %get3A_6 {offsets = [2], sizes = [1], strides = [1]} : vector<16xi32> to vector<1xi32>
    %squeeze3A_77 = vector.extract %slice3A_76[0] : i32 from vector<1xi32>
    %slice3A_78 = vector.extract_strided_slice %get3A_8 {offsets = [2], sizes = [1], strides = [1]} : vector<16xi32> to vector<1xi32>
    %squeeze3A_79 = vector.extract %slice3A_78[0] : i32 from vector<1xi32>
    %and3A_80 = arith.constant -128 : i32
    %and3A_81 = arith.andi %squeeze3A_77, %and3A_80 : i32
    %multiple_of3A_82 = tpu.assume_multiple %and3A_81, 128 : i32
    %and3A_83 = arith.constant -128 : i32
    %and3A_84 = arith.andi %squeeze3A_79, %and3A_83 : i32
    %multiple_of3A_85 = tpu.assume_multiple %and3A_84, 128 : i32
    %dma_start3A_86 = arith.constant 2 : i32
    %dma_start3A_87 = arith.constant 0 : i32
    %dma_start3A_88 = arith.constant 0 : i32
    %dma_start3A_89 = tpu.memref_slice %arg10[%dma_start3A_86, %dma_start3A_87, %dma_start3A_88] : memref<8x32x128xf32, #tpu.memory_space<vmem>> -> memref<1x32x128xf32, #tpu.memory_space<vmem>>
    %dma_start3A_90 = tpu.memref_squeeze %dma_start3A_89 : memref<1x32x128xf32, #tpu.memory_space<vmem>> -> memref<32x128xf32, #tpu.memory_space<vmem>>
    %dma_start3A_91 = arith.constant 0 : i32
    %dma_start3A_92 = tpu.memref_slice %arg4[%dma_start3A_91, %multiple_of3A_82] : memref<32x1000000xf32, #tpu.memory_space<hbm>> -> memref<32x128xf32, #tpu.memory_space<hbm>>
    %dma_start3A_93 = arith.constant 0 : i32
    %dma_start3A_94 = arith.constant 0 : i32
    %dma_start3A_95 = tpu.memref_slice %arg10[%dma_start3A_86, %dma_start3A_93, %dma_start3A_94] : memref<8x32x128xf32, #tpu.memory_space<vmem>> -> memref<1x32x128xf32, #tpu.memory_space<vmem>>
    %dma_start3A_96 = tpu.memref_squeeze %dma_start3A_95 : memref<1x32x128xf32, #tpu.memory_space<vmem>> -> memref<32x128xf32, #tpu.memory_space<vmem>>
    %dma_start3A_97 = arith.constant 0 : i32
    %dma_start3A_98 = tpu.memref_slice %arg4[%dma_start3A_97, %multiple_of3A_82] : memref<32x1000000xf32, #tpu.memory_space<hbm>> -> memref<32x128xf32, #tpu.memory_space<hbm>>
    tpu.enqueue_dma source(%dma_start3A_98 : memref<32x128xf32, #tpu.memory_space<hbm>>) target(%dma_start3A_96 : memref<32x128xf32, #tpu.memory_space<vmem>>) target_semaphore(%arg16 : memref<!tpu.dma_semaphore, #tpu.memory_space<semaphore_mem>>)
    %dma_start3A_99 = arith.constant 2 : i32
    %dma_start3A_100 = arith.constant 0 : i32
    %dma_start3A_101 = arith.constant 0 : i32
    %dma_start3A_102 = tpu.memref_slice %arg11[%dma_start3A_99, %dma_start3A_100, %dma_start3A_101] : memref<8x32x128xf32, #tpu.memory_space<vmem>> -> memref<1x32x128xf32, #tpu.memory_space<vmem>>
    %dma_start3A_103 = tpu.memref_squeeze %dma_start3A_102 : memref<1x32x128xf32, #tpu.memory_space<vmem>> -> memref<32x128xf32, #tpu.memory_space<vmem>>
    %dma_start3A_104 = arith.constant 0 : i32
    %dma_start3A_105 = tpu.memref_slice %arg5[%dma_start3A_104, %multiple_of3A_85] : memref<32x1000000xf32, #tpu.memory_space<hbm>> -> memref<32x128xf32, #tpu.memory_space<hbm>>
    %dma_start3A_106 = arith.constant 0 : i32
    %dma_start3A_107 = arith.constant 0 : i32
    %dma_start3A_108 = tpu.memref_slice %arg11[%dma_start3A_99, %dma_start3A_106, %dma_start3A_107] : memref<8x32x128xf32, #tpu.memory_space<vmem>> -> memref<1x32x128xf32, #tpu.memory_space<vmem>>
    %dma_start3A_109 = tpu.memref_squeeze %dma_start3A_108 : memref<1x32x128xf32, #tpu.memory_space<vmem>> -> memref<32x128xf32, #tpu.memory_space<vmem>>
    %dma_start3A_110 = arith.constant 0 : i32
    %dma_start3A_111 = tpu.memref_slice %arg5[%dma_start3A_110, %multiple_of3A_85] : memref<32x1000000xf32, #tpu.memory_space<hbm>> -> memref<32x128xf32, #tpu.memory_space<hbm>>
    tpu.enqueue_dma source(%dma_start3A_111 : memref<32x128xf32, #tpu.memory_space<hbm>>) target(%dma_start3A_109 : memref<32x128xf32, #tpu.memory_space<vmem>>) target_semaphore(%arg24 : memref<!tpu.dma_semaphore, #tpu.memory_space<semaphore_mem>>)
    %slice3A_112 = vector.extract_strided_slice %get3A_6 {offsets = [3], sizes = [1], strides = [1]} : vector<16xi32> to vector<1xi32>
    %squeeze3A_113 = vector.extract %slice3A_112[0] : i32 from vector<1xi32>
    %slice3A_114 = vector.extract_strided_slice %get3A_8 {offsets = [3], sizes = [1], strides = [1]} : vector<16xi32> to vector<1xi32>
    %squeeze3A_115 = vector.extract %slice3A_114[0] : i32 from vector<1xi32>
    %and3A_116 = arith.constant -128 : i32
    %and3A_117 = arith.andi %squeeze3A_113, %and3A_116 : i32
    %multiple_of3A_118 = tpu.assume_multiple %and3A_117, 128 : i32
    %and3A_119 = arith.constant -128 : i32
    %and3A_120 = arith.andi %squeeze3A_115, %and3A_119 : i32
    %multiple_of3A_121 = tpu.assume_multiple %and3A_120, 128 : i32
    %dma_start3A_122 = arith.constant 3 : i32
    %dma_start3A_123 = arith.constant 0 : i32
    %dma_start3A_124 = arith.constant 0 : i32
    %dma_start3A_125 = tpu.memref_slice %arg10[%dma_start3A_122, %dma_start3A_123, %dma_start3A_124] : memref<8x32x128xf32, #tpu.memory_space<vmem>> -> memref<1x32x128xf32, #tpu.memory_space<vmem>>
    %dma_start3A_126 = tpu.memref_squeeze %dma_start3A_125 : memref<1x32x128xf32, #tpu.memory_space<vmem>> -> memref<32x128xf32, #tpu.memory_space<vmem>>
    %dma_start3A_127 = arith.constant 0 : i32
    %dma_start3A_128 = tpu.memref_slice %arg4[%dma_start3A_127, %multiple_of3A_118] : memref<32x1000000xf32, #tpu.memory_space<hbm>> -> memref<32x128xf32, #tpu.memory_space<hbm>>
    %dma_start3A_129 = arith.constant 0 : i32
    %dma_start3A_130 = arith.constant 0 : i32
    %dma_start3A_131 = tpu.memref_slice %arg10[%dma_start3A_122, %dma_start3A_129, %dma_start3A_130] : memref<8x32x128xf32, #tpu.memory_space<vmem>> -> memref<1x32x128xf32, #tpu.memory_space<vmem>>
    %dma_start3A_132 = tpu.memref_squeeze %dma_start3A_131 : memref<1x32x128xf32, #tpu.memory_space<vmem>> -> memref<32x128xf32, #tpu.memory_space<vmem>>
    %dma_start3A_133 = arith.constant 0 : i32
    %dma_start3A_134 = tpu.memref_slice %arg4[%dma_start3A_133, %multiple_of3A_118] : memref<32x1000000xf32, #tpu.memory_space<hbm>> -> memref<32x128xf32, #tpu.memory_space<hbm>>
    tpu.enqueue_dma source(%dma_start3A_134 : memref<32x128xf32, #tpu.memory_space<hbm>>) target(%dma_start3A_132 : memref<32x128xf32, #tpu.memory_space<vmem>>) target_semaphore(%arg17 : memref<!tpu.dma_semaphore, #tpu.memory_space<semaphore_mem>>)
    %dma_start3A_135 = arith.constant 3 : i32
    %dma_start3A_136 = arith.constant 0 : i32
    %dma_start3A_137 = arith.constant 0 : i32
    %dma_start3A_138 = tpu.memref_slice %arg11[%dma_start3A_135, %dma_start3A_136, %dma_start3A_137] : memref<8x32x128xf32, #tpu.memory_space<vmem>> -> memref<1x32x128xf32, #tpu.memory_space<vmem>>
    %dma_start3A_139 = tpu.memref_squeeze %dma_start3A_138 : memref<1x32x128xf32, #tpu.memory_space<vmem>> -> memref<32x128xf32, #tpu.memory_space<vmem>>
    %dma_start3A_140 = arith.constant 0 : i32
    %dma_start3A_141 = tpu.memref_slice %arg5[%dma_start3A_140, %multiple_of3A_121] : memref<32x1000000xf32, #tpu.memory_space<hbm>> -> memref<32x128xf32, #tpu.memory_space<hbm>>
    %dma_start3A_142 = arith.constant 0 : i32
    %dma_start3A_143 = arith.constant 0 : i32
    %dma_start3A_144 = tpu.memref_slice %arg11[%dma_start3A_135, %dma_start3A_142, %dma_start3A_143] : memref<8x32x128xf32, #tpu.memory_space<vmem>> -> memref<1x32x128xf32, #tpu.memory_space<vmem>>
    %dma_start3A_145 = tpu.memref_squeeze %dma_start3A_144 : memref<1x32x128xf32, #tpu.memory_space<vmem>> -> memref<32x128xf32, #tpu.memory_space<vmem>>
    %dma_start3A_146 = arith.constant 0 : i32
    %dma_start3A_147 = tpu.memref_slice %arg5[%dma_start3A_146, %multiple_of3A_121] : memref<32x1000000xf32, #tpu.memory_space<hbm>> -> memref<32x128xf32, #tpu.memory_space<hbm>>
    tpu.enqueue_dma source(%dma_start3A_147 : memref<32x128xf32, #tpu.memory_space<hbm>>) target(%dma_start3A_145 : memref<32x128xf32, #tpu.memory_space<vmem>>) target_semaphore(%arg25 : memref<!tpu.dma_semaphore, #tpu.memory_space<semaphore_mem>>)
    %slice3A_148 = vector.extract_strided_slice %get3A_6 {offsets = [4], sizes = [1], strides = [1]} : vector<16xi32> to vector<1xi32>
    %squeeze3A_149 = vector.extract %slice3A_148[0] : i32 from vector<1xi32>
    %slice3A_150 = vector.extract_strided_slice %get3A_8 {offsets = [4], sizes = [1], strides = [1]} : vector<16xi32> to vector<1xi32>
    %squeeze3A_151 = vector.extract %slice3A_150[0] : i32 from vector<1xi32>
    %and3A_152 = arith.constant -128 : i32
    %and3A_153 = arith.andi %squeeze3A_149, %and3A_152 : i32
    %multiple_of3A_154 = tpu.assume_multiple %and3A_153, 128 : i32
    %and3A_155 = arith.constant -128 : i32
    %and3A_156 = arith.andi %squeeze3A_151, %and3A_155 : i32
    %multiple_of3A_157 = tpu.assume_multiple %and3A_156, 128 : i32
    %dma_start3A_158 = arith.constant 4 : i32
    %dma_start3A_159 = arith.constant 0 : i32
    %dma_start3A_160 = arith.constant 0 : i32
    %dma_start3A_161 = tpu.memref_slice %arg10[%dma_start3A_158, %dma_start3A_159, %dma_start3A_160] : memref<8x32x128xf32, #tpu.memory_space<vmem>> -> memref<1x32x128xf32, #tpu.memory_space<vmem>>
    %dma_start3A_162 = tpu.memref_squeeze %dma_start3A_161 : memref<1x32x128xf32, #tpu.memory_space<vmem>> -> memref<32x128xf32, #tpu.memory_space<vmem>>
    %dma_start3A_163 = arith.constant 0 : i32
    %dma_start3A_164 = tpu.memref_slice %arg4[%dma_start3A_163, %multiple_of3A_154] : memref<32x1000000xf32, #tpu.memory_space<hbm>> -> memref<32x128xf32, #tpu.memory_space<hbm>>
    %dma_start3A_165 = arith.constant 0 : i32
    %dma_start3A_166 = arith.constant 0 : i32
    %dma_start3A_167 = tpu.memref_slice %arg10[%dma_start3A_158, %dma_start3A_165, %dma_start3A_166] : memref<8x32x128xf32, #tpu.memory_space<vmem>> -> memref<1x32x128xf32, #tpu.memory_space<vmem>>
    %dma_start3A_168 = tpu.memref_squeeze %dma_start3A_167 : memref<1x32x128xf32, #tpu.memory_space<vmem>> -> memref<32x128xf32, #tpu.memory_space<vmem>>
    %dma_start3A_169 = arith.constant 0 : i32
    %dma_start3A_170 = tpu.memref_slice %arg4[%dma_start3A_169, %multiple_of3A_154] : memref<32x1000000xf32, #tpu.memory_space<hbm>> -> memref<32x128xf32, #tpu.memory_space<hbm>>
    tpu.enqueue_dma source(%dma_start3A_170 : memref<32x128xf32, #tpu.memory_space<hbm>>) target(%dma_start3A_168 : memref<32x128xf32, #tpu.memory_space<vmem>>) target_semaphore(%arg18 : memref<!tpu.dma_semaphore, #tpu.memory_space<semaphore_mem>>)
    %dma_start3A_171 = arith.constant 4 : i32
    %dma_start3A_172 = arith.constant 0 : i32
    %dma_start3A_173 = arith.constant 0 : i32
    %dma_start3A_174 = tpu.memref_slice %arg11[%dma_start3A_171, %dma_start3A_172, %dma_start3A_173] : memref<8x32x128xf32, #tpu.memory_space<vmem>> -> memref<1x32x128xf32, #tpu.memory_space<vmem>>
    %dma_start3A_175 = tpu.memref_squeeze %dma_start3A_174 : memref<1x32x128xf32, #tpu.memory_space<vmem>> -> memref<32x128xf32, #tpu.memory_space<vmem>>
    %dma_start3A_176 = arith.constant 0 : i32
    %dma_start3A_177 = tpu.memref_slice %arg5[%dma_start3A_176, %multiple_of3A_157] : memref<32x1000000xf32, #tpu.memory_space<hbm>> -> memref<32x128xf32, #tpu.memory_space<hbm>>
    %dma_start3A_178 = arith.constant 0 : i32
    %dma_start3A_179 = arith.constant 0 : i32
    %dma_start3A_180 = tpu.memref_slice %arg11[%dma_start3A_171, %dma_start3A_178, %dma_start3A_179] : memref<8x32x128xf32, #tpu.memory_space<vmem>> -> memref<1x32x128xf32, #tpu.memory_space<vmem>>
    %dma_start3A_181 = tpu.memref_squeeze %dma_start3A_180 : memref<1x32x128xf32, #tpu.memory_space<vmem>> -> memref<32x128xf32, #tpu.memory_space<vmem>>
    %dma_start3A_182 = arith.constant 0 : i32
    %dma_start3A_183 = tpu.memref_slice %arg5[%dma_start3A_182, %multiple_of3A_157] : memref<32x1000000xf32, #tpu.memory_space<hbm>> -> memref<32x128xf32, #tpu.memory_space<hbm>>
    tpu.enqueue_dma source(%dma_start3A_183 : memref<32x128xf32, #tpu.memory_space<hbm>>) target(%dma_start3A_181 : memref<32x128xf32, #tpu.memory_space<vmem>>) target_semaphore(%arg26 : memref<!tpu.dma_semaphore, #tpu.memory_space<semaphore_mem>>)
    %slice3A_184 = vector.extract_strided_slice %get3A_6 {offsets = [5], sizes = [1], strides = [1]} : vector<16xi32> to vector<1xi32>
    %squeeze3A_185 = vector.extract %slice3A_184[0] : i32 from vector<1xi32>
    %slice3A_186 = vector.extract_strided_slice %get3A_8 {offsets = [5], sizes = [1], strides = [1]} : vector<16xi32> to vector<1xi32>
    %squeeze3A_187 = vector.extract %slice3A_186[0] : i32 from vector<1xi32>
    %and3A_188 = arith.constant -128 : i32
    %and3A_189 = arith.andi %squeeze3A_185, %and3A_188 : i32
    %multiple_of3A_190 = tpu.assume_multiple %and3A_189, 128 : i32
    %and3A_191 = arith.constant -128 : i32
    %and3A_192 = arith.andi %squeeze3A_187, %and3A_191 : i32
    %multiple_of3A_193 = tpu.assume_multiple %and3A_192, 128 : i32
    %dma_start3A_194 = arith.constant 5 : i32
    %dma_start3A_195 = arith.constant 0 : i32
    %dma_start3A_196 = arith.constant 0 : i32
    %dma_start3A_197 = tpu.memref_slice %arg10[%dma_start3A_194, %dma_start3A_195, %dma_start3A_196] : memref<8x32x128xf32, #tpu.memory_space<vmem>> -> memref<1x32x128xf32, #tpu.memory_space<vmem>>
    %dma_start3A_198 = tpu.memref_squeeze %dma_start3A_197 : memref<1x32x128xf32, #tpu.memory_space<vmem>> -> memref<32x128xf32, #tpu.memory_space<vmem>>
    %dma_start3A_199 = arith.constant 0 : i32
    %dma_start3A_200 = tpu.memref_slice %arg4[%dma_start3A_199, %multiple_of3A_190] : memref<32x1000000xf32, #tpu.memory_space<hbm>> -> memref<32x128xf32, #tpu.memory_space<hbm>>
    %dma_start3A_201 = arith.constant 0 : i32
    %dma_start3A_202 = arith.constant 0 : i32
    %dma_start3A_203 = tpu.memref_slice %arg10[%dma_start3A_194, %dma_start3A_201, %dma_start3A_202] : memref<8x32x128xf32, #tpu.memory_space<vmem>> -> memref<1x32x128xf32, #tpu.memory_space<vmem>>
    %dma_start3A_204 = tpu.memref_squeeze %dma_start3A_203 : memref<1x32x128xf32, #tpu.memory_space<vmem>> -> memref<32x128xf32, #tpu.memory_space<vmem>>
    %dma_start3A_205 = arith.constant 0 : i32
    %dma_start3A_206 = tpu.memref_slice %arg4[%dma_start3A_205, %multiple_of3A_190] : memref<32x1000000xf32, #tpu.memory_space<hbm>> -> memref<32x128xf32, #tpu.memory_space<hbm>>
    tpu.enqueue_dma source(%dma_start3A_206 : memref<32x128xf32, #tpu.memory_space<hbm>>) target(%dma_start3A_204 : memref<32x128xf32, #tpu.memory_space<vmem>>) target_semaphore(%arg19 : memref<!tpu.dma_semaphore, #tpu.memory_space<semaphore_mem>>)
    %dma_start3A_207 = arith.constant 5 : i32
    %dma_start3A_208 = arith.constant 0 : i32
    %dma_start3A_209 = arith.constant 0 : i32
    %dma_start3A_210 = tpu.memref_slice %arg11[%dma_start3A_207, %dma_start3A_208, %dma_start3A_209] : memref<8x32x128xf32, #tpu.memory_space<vmem>> -> memref<1x32x128xf32, #tpu.memory_space<vmem>>
    %dma_start3A_211 = tpu.memref_squeeze %dma_start3A_210 : memref<1x32x128xf32, #tpu.memory_space<vmem>> -> memref<32x128xf32, #tpu.memory_space<vmem>>
    %dma_start3A_212 = arith.constant 0 : i32
    %dma_start3A_213 = tpu.memref_slice %arg5[%dma_start3A_212, %multiple_of3A_193] : memref<32x1000000xf32, #tpu.memory_space<hbm>> -> memref<32x128xf32, #tpu.memory_space<hbm>>
    %dma_start3A_214 = arith.constant 0 : i32
    %dma_start3A_215 = arith.constant 0 : i32
    %dma_start3A_216 = tpu.memref_slice %arg11[%dma_start3A_207, %dma_start3A_214, %dma_start3A_215] : memref<8x32x128xf32, #tpu.memory_space<vmem>> -> memref<1x32x128xf32, #tpu.memory_space<vmem>>
    %dma_start3A_217 = tpu.memref_squeeze %dma_start3A_216 : memref<1x32x128xf32, #tpu.memory_space<vmem>> -> memref<32x128xf32, #tpu.memory_space<vmem>>
    %dma_start3A_218 = arith.constant 0 : i32
    %dma_start3A_219 = tpu.memref_slice %arg5[%dma_start3A_218, %multiple_of3A_193] : memref<32x1000000xf32, #tpu.memory_space<hbm>> -> memref<32x128xf32, #tpu.memory_space<hbm>>
    tpu.enqueue_dma source(%dma_start3A_219 : memref<32x128xf32, #tpu.memory_space<hbm>>) target(%dma_start3A_217 : memref<32x128xf32, #tpu.memory_space<vmem>>) target_semaphore(%arg27 : memref<!tpu.dma_semaphore, #tpu.memory_space<semaphore_mem>>)
    %slice3A_220 = vector.extract_strided_slice %get3A_6 {offsets = [6], sizes = [1], strides = [1]} : vector<16xi32> to vector<1xi32>
    %squeeze3A_221 = vector.extract %slice3A_220[0] : i32 from vector<1xi32>
    %slice3A_222 = vector.extract_strided_slice %get3A_8 {offsets = [6], sizes = [1], strides = [1]} : vector<16xi32> to vector<1xi32>
    %squeeze3A_223 = vector.extract %slice3A_222[0] : i32 from vector<1xi32>
    %and3A_224 = arith.constant -128 : i32
    %and3A_225 = arith.andi %squeeze3A_221, %and3A_224 : i32
    %multiple_of3A_226 = tpu.assume_multiple %and3A_225, 128 : i32
    %and3A_227 = arith.constant -128 : i32
    %and3A_228 = arith.andi %squeeze3A_223, %and3A_227 : i32
    %multiple_of3A_229 = tpu.assume_multiple %and3A_228, 128 : i32
    %dma_start3A_230 = arith.constant 6 : i32
    %dma_start3A_231 = arith.constant 0 : i32
    %dma_start3A_232 = arith.constant 0 : i32
    %dma_start3A_233 = tpu.memref_slice %arg10[%dma_start3A_230, %dma_start3A_231, %dma_start3A_232] : memref<8x32x128xf32, #tpu.memory_space<vmem>> -> memref<1x32x128xf32, #tpu.memory_space<vmem>>
    %dma_start3A_234 = tpu.memref_squeeze %dma_start3A_233 : memref<1x32x128xf32, #tpu.memory_space<vmem>> -> memref<32x128xf32, #tpu.memory_space<vmem>>
    %dma_start3A_235 = arith.constant 0 : i32
    %dma_start3A_236 = tpu.memref_slice %arg4[%dma_start3A_235, %multiple_of3A_226] : memref<32x1000000xf32, #tpu.memory_space<hbm>> -> memref<32x128xf32, #tpu.memory_space<hbm>>
    %dma_start3A_237 = arith.constant 0 : i32
    %dma_start3A_238 = arith.constant 0 : i32
    %dma_start3A_239 = tpu.memref_slice %arg10[%dma_start3A_230, %dma_start3A_237, %dma_start3A_238] : memref<8x32x128xf32, #tpu.memory_space<vmem>> -> memref<1x32x128xf32, #tpu.memory_space<vmem>>
    %dma_start3A_240 = tpu.memref_squeeze %dma_start3A_239 : memref<1x32x128xf32, #tpu.memory_space<vmem>> -> memref<32x128xf32, #tpu.memory_space<vmem>>
    %dma_start3A_241 = arith.constant 0 : i32
    %dma_start3A_242 = tpu.memref_slice %arg4[%dma_start3A_241, %multiple_of3A_226] : memref<32x1000000xf32, #tpu.memory_space<hbm>> -> memref<32x128xf32, #tpu.memory_space<hbm>>
    tpu.enqueue_dma source(%dma_start3A_242 : memref<32x128xf32, #tpu.memory_space<hbm>>) target(%dma_start3A_240 : memref<32x128xf32, #tpu.memory_space<vmem>>) target_semaphore(%arg20 : memref<!tpu.dma_semaphore, #tpu.memory_space<semaphore_mem>>)
    %dma_start3A_243 = arith.constant 6 : i32
    %dma_start3A_244 = arith.constant 0 : i32
    %dma_start3A_245 = arith.constant 0 : i32
    %dma_start3A_246 = tpu.memref_slice %arg11[%dma_start3A_243, %dma_start3A_244, %dma_start3A_245] : memref<8x32x128xf32, #tpu.memory_space<vmem>> -> memref<1x32x128xf32, #tpu.memory_space<vmem>>
    %dma_start3A_247 = tpu.memref_squeeze %dma_start3A_246 : memref<1x32x128xf32, #tpu.memory_space<vmem>> -> memref<32x128xf32, #tpu.memory_space<vmem>>
    %dma_start3A_248 = arith.constant 0 : i32
    %dma_start3A_249 = tpu.memref_slice %arg5[%dma_start3A_248, %multiple_of3A_229] : memref<32x1000000xf32, #tpu.memory_space<hbm>> -> memref<32x128xf32, #tpu.memory_space<hbm>>
    %dma_start3A_250 = arith.constant 0 : i32
    %dma_start3A_251 = arith.constant 0 : i32
    %dma_start3A_252 = tpu.memref_slice %arg11[%dma_start3A_243, %dma_start3A_250, %dma_start3A_251] : memref<8x32x128xf32, #tpu.memory_space<vmem>> -> memref<1x32x128xf32, #tpu.memory_space<vmem>>
    %dma_start3A_253 = tpu.memref_squeeze %dma_start3A_252 : memref<1x32x128xf32, #tpu.memory_space<vmem>> -> memref<32x128xf32, #tpu.memory_space<vmem>>
    %dma_start3A_254 = arith.constant 0 : i32
    %dma_start3A_255 = tpu.memref_slice %arg5[%dma_start3A_254, %multiple_of3A_229] : memref<32x1000000xf32, #tpu.memory_space<hbm>> -> memref<32x128xf32, #tpu.memory_space<hbm>>
    tpu.enqueue_dma source(%dma_start3A_255 : memref<32x128xf32, #tpu.memory_space<hbm>>) target(%dma_start3A_253 : memref<32x128xf32, #tpu.memory_space<vmem>>) target_semaphore(%arg28 : memref<!tpu.dma_semaphore, #tpu.memory_space<semaphore_mem>>)
    %slice3A_256 = vector.extract_strided_slice %get3A_6 {offsets = [7], sizes = [1], strides = [1]} : vector<16xi32> to vector<1xi32>
    %squeeze3A_257 = vector.extract %slice3A_256[0] : i32 from vector<1xi32>
    %slice3A_258 = vector.extract_strided_slice %get3A_8 {offsets = [7], sizes = [1], strides = [1]} : vector<16xi32> to vector<1xi32>
    %squeeze3A_259 = vector.extract %slice3A_258[0] : i32 from vector<1xi32>
    %and3A_260 = arith.constant -128 : i32
    %and3A_261 = arith.andi %squeeze3A_257, %and3A_260 : i32
    %multiple_of3A_262 = tpu.assume_multiple %and3A_261, 128 : i32
    %and3A_263 = arith.constant -128 : i32
    %and3A_264 = arith.andi %squeeze3A_259, %and3A_263 : i32
    %multiple_of3A_265 = tpu.assume_multiple %and3A_264, 128 : i32
    %dma_start3A_266 = arith.constant 7 : i32
    %dma_start3A_267 = arith.constant 0 : i32
    %dma_start3A_268 = arith.constant 0 : i32
    %dma_start3A_269 = tpu.memref_slice %arg10[%dma_start3A_266, %dma_start3A_267, %dma_start3A_268] : memref<8x32x128xf32, #tpu.memory_space<vmem>> -> memref<1x32x128xf32, #tpu.memory_space<vmem>>
    %dma_start3A_270 = tpu.memref_squeeze %dma_start3A_269 : memref<1x32x128xf32, #tpu.memory_space<vmem>> -> memref<32x128xf32, #tpu.memory_space<vmem>>
    %dma_start3A_271 = arith.constant 0 : i32
    %dma_start3A_272 = tpu.memref_slice %arg4[%dma_start3A_271, %multiple_of3A_262] : memref<32x1000000xf32, #tpu.memory_space<hbm>> -> memref<32x128xf32, #tpu.memory_space<hbm>>
    %dma_start3A_273 = arith.constant 0 : i32
    %dma_start3A_274 = arith.constant 0 : i32
    %dma_start3A_275 = tpu.memref_slice %arg10[%dma_start3A_266, %dma_start3A_273, %dma_start3A_274] : memref<8x32x128xf32, #tpu.memory_space<vmem>> -> memref<1x32x128xf32, #tpu.memory_space<vmem>>
    %dma_start3A_276 = tpu.memref_squeeze %dma_start3A_275 : memref<1x32x128xf32, #tpu.memory_space<vmem>> -> memref<32x128xf32, #tpu.memory_space<vmem>>
    %dma_start3A_277 = arith.constant 0 : i32
    %dma_start3A_278 = tpu.memref_slice %arg4[%dma_start3A_277, %multiple_of3A_262] : memref<32x1000000xf32, #tpu.memory_space<hbm>> -> memref<32x128xf32, #tpu.memory_space<hbm>>
    tpu.enqueue_dma source(%dma_start3A_278 : memref<32x128xf32, #tpu.memory_space<hbm>>) target(%dma_start3A_276 : memref<32x128xf32, #tpu.memory_space<vmem>>) target_semaphore(%arg21 : memref<!tpu.dma_semaphore, #tpu.memory_space<semaphore_mem>>)
    %dma_start3A_279 = arith.constant 7 : i32
    %dma_start3A_280 = arith.constant 0 : i32
    %dma_start3A_281 = arith.constant 0 : i32
    %dma_start3A_282 = tpu.memref_slice %arg11[%dma_start3A_279, %dma_start3A_280, %dma_start3A_281] : memref<8x32x128xf32, #tpu.memory_space<vmem>> -> memref<1x32x128xf32, #tpu.memory_space<vmem>>
    %dma_start3A_283 = tpu.memref_squeeze %dma_start3A_282 : memref<1x32x128xf32, #tpu.memory_space<vmem>> -> memref<32x128xf32, #tpu.memory_space<vmem>>
    %dma_start3A_284 = arith.constant 0 : i32
    %dma_start3A_285 = tpu.memref_slice %arg5[%dma_start3A_284, %multiple_of3A_265] : memref<32x1000000xf32, #tpu.memory_space<hbm>> -> memref<32x128xf32, #tpu.memory_space<hbm>>
    %dma_start3A_286 = arith.constant 0 : i32
    %dma_start3A_287 = arith.constant 0 : i32
    %dma_start3A_288 = tpu.memref_slice %arg11[%dma_start3A_279, %dma_start3A_286, %dma_start3A_287] : memref<8x32x128xf32, #tpu.memory_space<vmem>> -> memref<1x32x128xf32, #tpu.memory_space<vmem>>
    %dma_start3A_289 = tpu.memref_squeeze %dma_start3A_288 : memref<1x32x128xf32, #tpu.memory_space<vmem>> -> memref<32x128xf32, #tpu.memory_space<vmem>>
    %dma_start3A_290 = arith.constant 0 : i32
    %dma_start3A_291 = tpu.memref_slice %arg5[%dma_start3A_290, %multiple_of3A_265] : memref<32x1000000xf32, #tpu.memory_space<hbm>> -> memref<32x128xf32, #tpu.memory_space<hbm>>
    tpu.enqueue_dma source(%dma_start3A_291 : memref<32x128xf32, #tpu.memory_space<hbm>>) target(%dma_start3A_289 : memref<32x128xf32, #tpu.memory_space<vmem>>) target_semaphore(%arg29 : memref<!tpu.dma_semaphore, #tpu.memory_space<semaphore_mem>>)
    %scan3A = arith.constant 0 : i32
    %scan3A_292 = arith.constant 0 : i32
    %scan3A_293 = arith.constant 16 : i32
    %scan3A_294 = arith.addi %scan3A_292, %scan3A_293 : i32
    %scan3A_295 = arith.constant 1 : i32
    scf.for %scan3A_297 = %scan3A_292 to %scan3A_294 step %scan3A_295  : i32 {
      %mul3A_298 = arith.constant 8 : i32
      %mul3A_299 = arith.muli %scan3A_297, %mul3A_298 : i32
      %get3A_300 = arith.index_cast %mul3A_299 : i32 to index
      %get3A_301 = tpu.vector_load %arg8[%get3A_300] {strides = array<i32>} : memref<144xi32, #tpu.memory_space<vmem>>, vector<16xi32>,
      %mul3A_302 = arith.constant 8 : i32
      %mul3A_303 = arith.muli %scan3A_297, %mul3A_302 : i32
      %get3A_304 = arith.index_cast %mul3A_303 : i32 to index
      %get3A_305 = tpu.vector_load %arg9[%get3A_304] {strides = array<i32>} : memref<144xi32, #tpu.memory_space<vmem>>, vector<16xi32>,
      %mul3A_306 = arith.constant 8 : i32
      %mul3A_307 = arith.muli %scan3A_297, %mul3A_306 : i32
      %add3A_308 = arith.constant 0 : i32
      %add3A_309 = arith.addi %mul3A_307, %add3A_308 : i32
      %dma_wait3A = arith.constant 0 : i32
      %dma_wait3A_310 = arith.constant 0 : i32
      %dma_wait3A_311 = arith.constant 0 : i32
      %dma_wait3A_312 = tpu.memref_slice %arg10[%dma_wait3A, %dma_wait3A_310, %dma_wait3A_311] : memref<8x32x128xf32, #tpu.memory_space<vmem>> -> memref<1x32x128xf32, #tpu.memory_space<vmem>>
      %dma_wait3A_313 = tpu.memref_squeeze %dma_wait3A_312 : memref<1x32x128xf32, #tpu.memory_space<vmem>> -> memref<32x128xf32, #tpu.memory_space<vmem>>
      %dma_wait3A_314 = arith.constant 0 : i32
      %dma_wait3A_315 = arith.constant 0 : i32
      %dma_wait3A_316 = tpu.memref_slice %arg4[%dma_wait3A_314, %dma_wait3A_315] : memref<32x1000000xf32, #tpu.memory_space<hbm>> -> memref<32x128xf32, #tpu.memory_space<hbm>>
      %dma_wait3A_317 = arith.constant 0 : i32
      %dma_wait3A_318 = arith.constant 0 : i32
      %dma_wait3A_319 = tpu.memref_slice %arg10[%dma_wait3A, %dma_wait3A_317, %dma_wait3A_318] : memref<8x32x128xf32, #tpu.memory_space<vmem>> -> memref<1x32x128xf32, #tpu.memory_space<vmem>>
      %dma_wait3A_320 = tpu.memref_squeeze %dma_wait3A_319 : memref<1x32x128xf32, #tpu.memory_space<vmem>> -> memref<32x128xf32, #tpu.memory_space<vmem>>
      %dma_wait3A_321 = arith.constant 0 : i32
      %dma_wait3A_322 = arith.constant 0 : i32
      %dma_wait3A_323 = tpu.memref_slice %arg4[%dma_wait3A_321, %dma_wait3A_322] : memref<32x1000000xf32, #tpu.memory_space<hbm>> -> memref<32x128xf32, #tpu.memory_space<hbm>>
      tpu.wait_dma2 semaphore(%arg14 : memref<!tpu.dma_semaphore, #tpu.memory_space<semaphore_mem>>) src(%dma_wait3A_323 : memref<32x128xf32, #tpu.memory_space<hbm>>) dst(%dma_wait3A_320 : memref<32x128xf32, #tpu.memory_space<vmem>>)
      %dma_wait3A_324 = arith.constant 0 : i32
      %dma_wait3A_325 = arith.constant 0 : i32
      %dma_wait3A_326 = arith.constant 0 : i32
      %dma_wait3A_327 = tpu.memref_slice %arg11[%dma_wait3A_324, %dma_wait3A_325, %dma_wait3A_326] : memref<8x32x128xf32, #tpu.memory_space<vmem>> -> memref<1x32x128xf32, #tpu.memory_space<vmem>>
      %dma_wait3A_328 = tpu.memref_squeeze %dma_wait3A_327 : memref<1x32x128xf32, #tpu.memory_space<vmem>> -> memref<32x128xf32, #tpu.memory_space<vmem>>
      %dma_wait3A_329 = arith.constant 0 : i32
      %dma_wait3A_330 = arith.constant 0 : i32
      %dma_wait3A_331 = tpu.memref_slice %arg5[%dma_wait3A_329, %dma_wait3A_330] : memref<32x1000000xf32, #tpu.memory_space<hbm>> -> memref<32x128xf32, #tpu.memory_space<hbm>>
      %dma_wait3A_332 = arith.constant 0 : i32
      %dma_wait3A_333 = arith.constant 0 : i32
      %dma_wait3A_334 = tpu.memref_slice %arg11[%dma_wait3A_324, %dma_wait3A_332, %dma_wait3A_333] : memref<8x32x128xf32, #tpu.memory_space<vmem>> -> memref<1x32x128xf32, #tpu.memory_space<vmem>>
      %dma_wait3A_335 = tpu.memref_squeeze %dma_wait3A_334 : memref<1x32x128xf32, #tpu.memory_space<vmem>> -> memref<32x128xf32, #tpu.memory_space<vmem>>
      %dma_wait3A_336 = arith.constant 0 : i32
      %dma_wait3A_337 = arith.constant 0 : i32
      %dma_wait3A_338 = tpu.memref_slice %arg5[%dma_wait3A_336, %dma_wait3A_337] : memref<32x1000000xf32, #tpu.memory_space<hbm>> -> memref<32x128xf32, #tpu.memory_space<hbm>>
      tpu.wait_dma2 semaphore(%arg22 : memref<!tpu.dma_semaphore, #tpu.memory_space<semaphore_mem>>) src(%dma_wait3A_338 : memref<32x128xf32, #tpu.memory_space<hbm>>) dst(%dma_wait3A_335 : memref<32x128xf32, #tpu.memory_space<vmem>>)
      %slice3A_339 = vector.extract_strided_slice %get3A_301 {offsets = [0], sizes = [1], strides = [1]} : vector<16xi32> to vector<1xi32>
      %squeeze3A_340 = vector.extract %slice3A_339[0] : i32 from vector<1xi32>
      %and3A_341 = arith.constant 127 : i32
      %and3A_342 = arith.andi %squeeze3A_340, %and3A_341 : i32
      %broadcast_in_dim3A = vector.broadcast %and3A_342 : i32 to vector<16xi32>
      %gather3A = arith.constant 0 : i32
      %gather3A_343 = arith.constant 0 : i32
      %gather3A_344 = arith.constant 0 : i32
      %gather3A_345 = tpu.memref_slice %arg10[%gather3A, %gather3A_343, %gather3A_344] : memref<8x32x128xf32, #tpu.memory_space<vmem>> -> memref<1x32x128xf32, #tpu.memory_space<vmem>>
      %gather3A_346 = tpu.memref_squeeze %gather3A_345 : memref<1x32x128xf32, #tpu.memory_space<vmem>> -> memref<32x128xf32, #tpu.memory_space<vmem>>
      %gather3A_347 = tpu.vector_load_idx %gather3A_346[%iota3A, %broadcast_in_dim3A] : memref<32x128xf32, #tpu.memory_space<vmem>>[vector<16xi32>, vector<16xi32>], vector<16xf32>,
      %gather3A_348 = arith.constant 0 : i32
      %gather3A_349 = arith.constant 0 : i32
      %gather3A_350 = arith.constant 0 : i32
      %gather3A_351 = tpu.memref_slice %arg10[%gather3A_348, %gather3A_349, %gather3A_350] : memref<8x32x128xf32, #tpu.memory_space<vmem>> -> memref<1x32x128xf32, #tpu.memory_space<vmem>>
      %gather3A_352 = tpu.memref_squeeze %gather3A_351 : memref<1x32x128xf32, #tpu.memory_space<vmem>> -> memref<32x128xf32, #tpu.memory_space<vmem>>
      %gather3A_353 = tpu.vector_load_idx %gather3A_352[%add3A_5, %broadcast_in_dim3A] : memref<32x128xf32, #tpu.memory_space<vmem>>[vector<16xi32>, vector<16xi32>], vector<16xf32>,
      %swap3A = arith.index_cast %add3A_309 : i32 to index
      %swap3A_354 = arith.constant 0 : index
      %swap3A_355 = tpu.vector_load %arg12[%swap3A, %swap3A_354] {strides = array<i32>} : memref<128x32xf32, #tpu.memory_space<vmem>>, vector<16xf32>,
      tpu.vector_store %arg12[%swap3A, %swap3A_354], %gather3A_347 {strides = array<i32>} : memref<128x32xf32, #tpu.memory_space<vmem>>, vector<16xf32>,
      %swap3A_356 = arith.index_cast %add3A_309 : i32 to index
      %swap3A_357 = arith.constant 16 : index
      %swap3A_358 = tpu.vector_load %arg12[%swap3A_356, %swap3A_357] {strides = array<i32>} : memref<128x32xf32, #tpu.memory_space<vmem>>, vector<16xf32>,
      tpu.vector_store %arg12[%swap3A_356, %swap3A_357], %gather3A_353 {strides = array<i32>} : memref<128x32xf32, #tpu.memory_space<vmem>>, vector<16xf32>,
      %slice3A_359 = vector.extract_strided_slice %get3A_305 {offsets = [0], sizes = [1], strides = [1]} : vector<16xi32> to vector<1xi32>
      %squeeze3A_360 = vector.extract %slice3A_359[0] : i32 from vector<1xi32>
      %and3A_361 = arith.constant 127 : i32
      %and3A_362 = arith.andi %squeeze3A_360, %and3A_361 : i32
      %broadcast_in_dim3A_363 = vector.broadcast %and3A_362 : i32 to vector<16xi32>
      %broadcast_in_dim3A_364 = vector.broadcast %add3A_309 : i32 to vector<16xi32>
      %gather3A_365 = arith.constant 0 : i32
      %gather3A_366 = arith.constant 0 : i32
      %gather3A_367 = arith.constant 0 : i32
      %gather3A_368 = tpu.memref_slice %arg11[%gather3A_365, %gather3A_366, %gather3A_367] : memref<8x32x128xf32, #tpu.memory_space<vmem>> -> memref<1x32x128xf32, #tpu.memory_space<vmem>>
      %gather3A_369 = tpu.memref_squeeze %gather3A_368 : memref<1x32x128xf32, #tpu.memory_space<vmem>> -> memref<32x128xf32, #tpu.memory_space<vmem>>
      %gather3A_370 = tpu.vector_load_idx %gather3A_369[%iota3A, %broadcast_in_dim3A_363] : memref<32x128xf32, #tpu.memory_space<vmem>>[vector<16xi32>, vector<16xi32>], vector<16xf32>,
      %gather3A_371 = arith.constant 0 : i32
      %gather3A_372 = arith.constant 0 : i32
      %gather3A_373 = arith.constant 0 : i32
      %gather3A_374 = tpu.memref_slice %arg11[%gather3A_371, %gather3A_372, %gather3A_373] : memref<8x32x128xf32, #tpu.memory_space<vmem>> -> memref<1x32x128xf32, #tpu.memory_space<vmem>>
      %gather3A_375 = tpu.memref_squeeze %gather3A_374 : memref<1x32x128xf32, #tpu.memory_space<vmem>> -> memref<32x128xf32, #tpu.memory_space<vmem>>
      %gather3A_376 = tpu.vector_load_idx %gather3A_375[%add3A_5, %broadcast_in_dim3A_363] : memref<32x128xf32, #tpu.memory_space<vmem>>[vector<16xi32>, vector<16xi32>], vector<16xf32>,
      tpu.vector_store_idx %arg13[%iota3A, %broadcast_in_dim3A_364], %gather3A_370 : memref<32x128xf32, #tpu.memory_space<vmem>>[vector<16xi32>, vector<16xi32>], vector<16xf32>,
      tpu.vector_store_idx %arg13[%add3A_5, %broadcast_in_dim3A_364], %gather3A_376 : memref<32x128xf32, #tpu.memory_space<vmem>>[vector<16xi32>, vector<16xi32>], vector<16xf32>,
      %add3A_377 = arith.constant 8 : i32
      %add3A_378 = arith.addi %add3A_309, %add3A_377 : i32
      %lt3A = arith.constant 128 : i32
      %lt3A_379 = arith.cmpi slt, %add3A_378, %lt3A : i32
      %convert_element_type3A = arith.extui %lt3A_379 : i1 to i32
      %cond3A = arith.constant 0 : i32
      %cond3A_380 = arith.cmpi ne, %convert_element_type3A, %cond3A : i32
      scf.if %cond3A_380 {
        %slice3A_955 = vector.extract_strided_slice %get3A_301 {offsets = [8], sizes = [1], strides = [1]} : vector<16xi32> to vector<1xi32>
        %squeeze3A_956 = vector.extract %slice3A_955[0] : i32 from vector<1xi32>
        %slice3A_957 = vector.extract_strided_slice %get3A_305 {offsets = [8], sizes = [1], strides = [1]} : vector<16xi32> to vector<1xi32>
        %squeeze3A_958 = vector.extract %slice3A_957[0] : i32 from vector<1xi32>
        %and3A_959 = arith.constant -128 : i32
        %and3A_960 = arith.andi %squeeze3A_956, %and3A_959 : i32
        %multiple_of3A_961 = tpu.assume_multiple %and3A_960, 128 : i32
        %and3A_962 = arith.constant -128 : i32
        %and3A_963 = arith.andi %squeeze3A_958, %and3A_962 : i32
        %multiple_of3A_964 = tpu.assume_multiple %and3A_963, 128 : i32
        %dma_start3A_965 = arith.constant 0 : i32
        %dma_start3A_966 = arith.constant 0 : i32
        %dma_start3A_967 = arith.constant 0 : i32
        %dma_start3A_968 = tpu.memref_slice %arg10[%dma_start3A_965, %dma_start3A_966, %dma_start3A_967] : memref<8x32x128xf32, #tpu.memory_space<vmem>> -> memref<1x32x128xf32, #tpu.memory_space<vmem>>
        %dma_start3A_969 = tpu.memref_squeeze %dma_start3A_968 : memref<1x32x128xf32, #tpu.memory_space<vmem>> -> memref<32x128xf32, #tpu.memory_space<vmem>>
        %dma_start3A_970 = arith.constant 0 : i32
        %dma_start3A_971 = tpu.memref_slice %arg4[%dma_start3A_970, %multiple_of3A_961] : memref<32x1000000xf32, #tpu.memory_space<hbm>> -> memref<32x128xf32, #tpu.memory_space<hbm>>
        %dma_start3A_972 = arith.constant 0 : i32
        %dma_start3A_973 = arith.constant 0 : i32
        %dma_start3A_974 = tpu.memref_slice %arg10[%dma_start3A_965, %dma_start3A_972, %dma_start3A_973] : memref<8x32x128xf32, #tpu.memory_space<vmem>> -> memref<1x32x128xf32, #tpu.memory_space<vmem>>
        %dma_start3A_975 = tpu.memref_squeeze %dma_start3A_974 : memref<1x32x128xf32, #tpu.memory_space<vmem>> -> memref<32x128xf32, #tpu.memory_space<vmem>>
        %dma_start3A_976 = arith.constant 0 : i32
        %dma_start3A_977 = tpu.memref_slice %arg4[%dma_start3A_976, %multiple_of3A_961] : memref<32x1000000xf32, #tpu.memory_space<hbm>> -> memref<32x128xf32, #tpu.memory_space<hbm>>
        tpu.enqueue_dma source(%dma_start3A_977 : memref<32x128xf32, #tpu.memory_space<hbm>>) target(%dma_start3A_975 : memref<32x128xf32, #tpu.memory_space<vmem>>) target_semaphore(%arg14 : memref<!tpu.dma_semaphore, #tpu.memory_space<semaphore_mem>>)
        %dma_start3A_978 = arith.constant 0 : i32
        %dma_start3A_979 = arith.constant 0 : i32
        %dma_start3A_980 = arith.constant 0 : i32
        %dma_start3A_981 = tpu.memref_slice %arg11[%dma_start3A_978, %dma_start3A_979, %dma_start3A_980] : memref<8x32x128xf32, #tpu.memory_space<vmem>> -> memref<1x32x128xf32, #tpu.memory_space<vmem>>
        %dma_start3A_982 = tpu.memref_squeeze %dma_start3A_981 : memref<1x32x128xf32, #tpu.memory_space<vmem>> -> memref<32x128xf32, #tpu.memory_space<vmem>>
        %dma_start3A_983 = arith.constant 0 : i32
        %dma_start3A_984 = tpu.memref_slice %arg5[%dma_start3A_983, %multiple_of3A_964] : memref<32x1000000xf32, #tpu.memory_space<hbm>> -> memref<32x128xf32, #tpu.memory_space<hbm>>
        %dma_start3A_985 = arith.constant 0 : i32
        %dma_start3A_986 = arith.constant 0 : i32
        %dma_start3A_987 = tpu.memref_slice %arg11[%dma_start3A_978, %dma_start3A_985, %dma_start3A_986] : memref<8x32x128xf32, #tpu.memory_space<vmem>> -> memref<1x32x128xf32, #tpu.memory_space<vmem>>
        %dma_start3A_988 = tpu.memref_squeeze %dma_start3A_987 : memref<1x32x128xf32, #tpu.memory_space<vmem>> -> memref<32x128xf32, #tpu.memory_space<vmem>>
        %dma_start3A_989 = arith.constant 0 : i32
        %dma_start3A_990 = tpu.memref_slice %arg5[%dma_start3A_989, %multiple_of3A_964] : memref<32x1000000xf32, #tpu.memory_space<hbm>> -> memref<32x128xf32, #tpu.memory_space<hbm>>
        tpu.enqueue_dma source(%dma_start3A_990 : memref<32x128xf32, #tpu.memory_space<hbm>>) target(%dma_start3A_988 : memref<32x128xf32, #tpu.memory_space<vmem>>) target_semaphore(%arg22 : memref<!tpu.dma_semaphore, #tpu.memory_space<semaphore_mem>>)
      } else {
      }
      %mul3A_381 = arith.constant 8 : i32
      %mul3A_382 = arith.muli %scan3A_297, %mul3A_381 : i32
      %add3A_383 = arith.constant 1 : i32
      %add3A_384 = arith.addi %mul3A_382, %add3A_383 : i32
      %dma_wait3A_385 = arith.constant 1 : i32
      %dma_wait3A_386 = arith.constant 0 : i32
      %dma_wait3A_387 = arith.constant 0 : i32
      %dma_wait3A_388 = tpu.memref_slice %arg10[%dma_wait3A_385, %dma_wait3A_386, %dma_wait3A_387] : memref<8x32x128xf32, #tpu.memory_space<vmem>> -> memref<1x32x128xf32, #tpu.memory_space<vmem>>
      %dma_wait3A_389 = tpu.memref_squeeze %dma_wait3A_388 : memref<1x32x128xf32, #tpu.memory_space<vmem>> -> memref<32x128xf32, #tpu.memory_space<vmem>>
      %dma_wait3A_390 = arith.constant 0 : i32
      %dma_wait3A_391 = arith.constant 0 : i32
      %dma_wait3A_392 = tpu.memref_slice %arg4[%dma_wait3A_390, %dma_wait3A_391] : memref<32x1000000xf32, #tpu.memory_space<hbm>> -> memref<32x128xf32, #tpu.memory_space<hbm>>
      %dma_wait3A_393 = arith.constant 0 : i32
      %dma_wait3A_394 = arith.constant 0 : i32
      %dma_wait3A_395 = tpu.memref_slice %arg10[%dma_wait3A_385, %dma_wait3A_393, %dma_wait3A_394] : memref<8x32x128xf32, #tpu.memory_space<vmem>> -> memref<1x32x128xf32, #tpu.memory_space<vmem>>
      %dma_wait3A_396 = tpu.memref_squeeze %dma_wait3A_395 : memref<1x32x128xf32, #tpu.memory_space<vmem>> -> memref<32x128xf32, #tpu.memory_space<vmem>>
      %dma_wait3A_397 = arith.constant 0 : i32
      %dma_wait3A_398 = arith.constant 0 : i32
      %dma_wait3A_399 = tpu.memref_slice %arg4[%dma_wait3A_397, %dma_wait3A_398] : memref<32x1000000xf32, #tpu.memory_space<hbm>> -> memref<32x128xf32, #tpu.memory_space<hbm>>
      tpu.wait_dma2 semaphore(%arg15 : memref<!tpu.dma_semaphore, #tpu.memory_space<semaphore_mem>>) src(%dma_wait3A_399 : memref<32x128xf32, #tpu.memory_space<hbm>>) dst(%dma_wait3A_396 : memref<32x128xf32, #tpu.memory_space<vmem>>)
      %dma_wait3A_400 = arith.constant 1 : i32
      %dma_wait3A_401 = arith.constant 0 : i32
      %dma_wait3A_402 = arith.constant 0 : i32
      %dma_wait3A_403 = tpu.memref_slice %arg11[%dma_wait3A_400, %dma_wait3A_401, %dma_wait3A_402] : memref<8x32x128xf32, #tpu.memory_space<vmem>> -> memref<1x32x128xf32, #tpu.memory_space<vmem>>
      %dma_wait3A_404 = tpu.memref_squeeze %dma_wait3A_403 : memref<1x32x128xf32, #tpu.memory_space<vmem>> -> memref<32x128xf32, #tpu.memory_space<vmem>>
      %dma_wait3A_405 = arith.constant 0 : i32
      %dma_wait3A_406 = arith.constant 0 : i32
      %dma_wait3A_407 = tpu.memref_slice %arg5[%dma_wait3A_405, %dma_wait3A_406] : memref<32x1000000xf32, #tpu.memory_space<hbm>> -> memref<32x128xf32, #tpu.memory_space<hbm>>
      %dma_wait3A_408 = arith.constant 0 : i32
      %dma_wait3A_409 = arith.constant 0 : i32
      %dma_wait3A_410 = tpu.memref_slice %arg11[%dma_wait3A_400, %dma_wait3A_408, %dma_wait3A_409] : memref<8x32x128xf32, #tpu.memory_space<vmem>> -> memref<1x32x128xf32, #tpu.memory_space<vmem>>
      %dma_wait3A_411 = tpu.memref_squeeze %dma_wait3A_410 : memref<1x32x128xf32, #tpu.memory_space<vmem>> -> memref<32x128xf32, #tpu.memory_space<vmem>>
      %dma_wait3A_412 = arith.constant 0 : i32
      %dma_wait3A_413 = arith.constant 0 : i32
      %dma_wait3A_414 = tpu.memref_slice %arg5[%dma_wait3A_412, %dma_wait3A_413] : memref<32x1000000xf32, #tpu.memory_space<hbm>> -> memref<32x128xf32, #tpu.memory_space<hbm>>
      tpu.wait_dma2 semaphore(%arg23 : memref<!tpu.dma_semaphore, #tpu.memory_space<semaphore_mem>>) src(%dma_wait3A_414 : memref<32x128xf32, #tpu.memory_space<hbm>>) dst(%dma_wait3A_411 : memref<32x128xf32, #tpu.memory_space<vmem>>)
      %slice3A_415 = vector.extract_strided_slice %get3A_301 {offsets = [1], sizes = [1], strides = [1]} : vector<16xi32> to vector<1xi32>
      %squeeze3A_416 = vector.extract %slice3A_415[0] : i32 from vector<1xi32>
      %and3A_417 = arith.constant 127 : i32
      %and3A_418 = arith.andi %squeeze3A_416, %and3A_417 : i32
      %broadcast_in_dim3A_419 = vector.broadcast %and3A_418 : i32 to vector<16xi32>
      %gather3A_420 = arith.constant 1 : i32
      %gather3A_421 = arith.constant 0 : i32
      %gather3A_422 = arith.constant 0 : i32
      %gather3A_423 = tpu.memref_slice %arg10[%gather3A_420, %gather3A_421, %gather3A_422] : memref<8x32x128xf32, #tpu.memory_space<vmem>> -> memref<1x32x128xf32, #tpu.memory_space<vmem>>
      %gather3A_424 = tpu.memref_squeeze %gather3A_423 : memref<1x32x128xf32, #tpu.memory_space<vmem>> -> memref<32x128xf32, #tpu.memory_space<vmem>>
      %gather3A_425 = tpu.vector_load_idx %gather3A_424[%iota3A, %broadcast_in_dim3A_419] : memref<32x128xf32, #tpu.memory_space<vmem>>[vector<16xi32>, vector<16xi32>], vector<16xf32>,
      %gather3A_426 = arith.constant 1 : i32
      %gather3A_427 = arith.constant 0 : i32
      %gather3A_428 = arith.constant 0 : i32
      %gather3A_429 = tpu.memref_slice %arg10[%gather3A_426, %gather3A_427, %gather3A_428] : memref<8x32x128xf32, #tpu.memory_space<vmem>> -> memref<1x32x128xf32, #tpu.memory_space<vmem>>
      %gather3A_430 = tpu.memref_squeeze %gather3A_429 : memref<1x32x128xf32, #tpu.memory_space<vmem>> -> memref<32x128xf32, #tpu.memory_space<vmem>>
      %gather3A_431 = tpu.vector_load_idx %gather3A_430[%add3A_5, %broadcast_in_dim3A_419] : memref<32x128xf32, #tpu.memory_space<vmem>>[vector<16xi32>, vector<16xi32>], vector<16xf32>,
      %swap3A_432 = arith.index_cast %add3A_384 : i32 to index
      %swap3A_433 = arith.constant 0 : index
      %swap3A_434 = tpu.vector_load %arg12[%swap3A_432, %swap3A_433] {strides = array<i32>} : memref<128x32xf32, #tpu.memory_space<vmem>>, vector<16xf32>,
      tpu.vector_store %arg12[%swap3A_432, %swap3A_433], %gather3A_425 {strides = array<i32>} : memref<128x32xf32, #tpu.memory_space<vmem>>, vector<16xf32>,
      %swap3A_435 = arith.index_cast %add3A_384 : i32 to index
      %swap3A_436 = arith.constant 16 : index
      %swap3A_437 = tpu.vector_load %arg12[%swap3A_435, %swap3A_436] {strides = array<i32>} : memref<128x32xf32, #tpu.memory_space<vmem>>, vector<16xf32>,
      tpu.vector_store %arg12[%swap3A_435, %swap3A_436], %gather3A_431 {strides = array<i32>} : memref<128x32xf32, #tpu.memory_space<vmem>>, vector<16xf32>,
      %slice3A_438 = vector.extract_strided_slice %get3A_305 {offsets = [1], sizes = [1], strides = [1]} : vector<16xi32> to vector<1xi32>
      %squeeze3A_439 = vector.extract %slice3A_438[0] : i32 from vector<1xi32>
      %and3A_440 = arith.constant 127 : i32
      %and3A_441 = arith.andi %squeeze3A_439, %and3A_440 : i32
      %broadcast_in_dim3A_442 = vector.broadcast %and3A_441 : i32 to vector<16xi32>
      %broadcast_in_dim3A_443 = vector.broadcast %add3A_384 : i32 to vector<16xi32>
      %gather3A_444 = arith.constant 1 : i32
      %gather3A_445 = arith.constant 0 : i32
      %gather3A_446 = arith.constant 0 : i32
      %gather3A_447 = tpu.memref_slice %arg11[%gather3A_444, %gather3A_445, %gather3A_446] : memref<8x32x128xf32, #tpu.memory_space<vmem>> -> memref<1x32x128xf32, #tpu.memory_space<vmem>>
      %gather3A_448 = tpu.memref_squeeze %gather3A_447 : memref<1x32x128xf32, #tpu.memory_space<vmem>> -> memref<32x128xf32, #tpu.memory_space<vmem>>
      %gather3A_449 = tpu.vector_load_idx %gather3A_448[%iota3A, %broadcast_in_dim3A_442] : memref<32x128xf32, #tpu.memory_space<vmem>>[vector<16xi32>, vector<16xi32>], vector<16xf32>,
      %gather3A_450 = arith.constant 1 : i32
      %gather3A_451 = arith.constant 0 : i32
      %gather3A_452 = arith.constant 0 : i32
      %gather3A_453 = tpu.memref_slice %arg11[%gather3A_450, %gather3A_451, %gather3A_452] : memref<8x32x128xf32, #tpu.memory_space<vmem>> -> memref<1x32x128xf32, #tpu.memory_space<vmem>>
      %gather3A_454 = tpu.memref_squeeze %gather3A_453 : memref<1x32x128xf32, #tpu.memory_space<vmem>> -> memref<32x128xf32, #tpu.memory_space<vmem>>
      %gather3A_455 = tpu.vector_load_idx %gather3A_454[%add3A_5, %broadcast_in_dim3A_442] : memref<32x128xf32, #tpu.memory_space<vmem>>[vector<16xi32>, vector<16xi32>], vector<16xf32>,
      tpu.vector_store_idx %arg13[%iota3A, %broadcast_in_dim3A_443], %gather3A_449 : memref<32x128xf32, #tpu.memory_space<vmem>>[vector<16xi32>, vector<16xi32>], vector<16xf32>,
      tpu.vector_store_idx %arg13[%add3A_5, %broadcast_in_dim3A_443], %gather3A_455 : memref<32x128xf32, #tpu.memory_space<vmem>>[vector<16xi32>, vector<16xi32>], vector<16xf32>,
      %add3A_456 = arith.constant 8 : i32
      %add3A_457 = arith.addi %add3A_384, %add3A_456 : i32
      %lt3A_458 = arith.constant 128 : i32
      %lt3A_459 = arith.cmpi slt, %add3A_457, %lt3A_458 : i32
      %convert_element_type3A_460 = arith.extui %lt3A_459 : i1 to i32
      %cond3A_461 = arith.constant 0 : i32
      %cond3A_462 = arith.cmpi ne, %convert_element_type3A_460, %cond3A_461 : i32
      scf.if %cond3A_462 {
        %slice3A_955 = vector.extract_strided_slice %get3A_301 {offsets = [9], sizes = [1], strides = [1]} : vector<16xi32> to vector<1xi32>
        %squeeze3A_956 = vector.extract %slice3A_955[0] : i32 from vector<1xi32>
        %slice3A_957 = vector.extract_strided_slice %get3A_305 {offsets = [9], sizes = [1], strides = [1]} : vector<16xi32> to vector<1xi32>
        %squeeze3A_958 = vector.extract %slice3A_957[0] : i32 from vector<1xi32>
        %and3A_959 = arith.constant -128 : i32
        %and3A_960 = arith.andi %squeeze3A_956, %and3A_959 : i32
        %multiple_of3A_961 = tpu.assume_multiple %and3A_960, 128 : i32
        %and3A_962 = arith.constant -128 : i32
        %and3A_963 = arith.andi %squeeze3A_958, %and3A_962 : i32
        %multiple_of3A_964 = tpu.assume_multiple %and3A_963, 128 : i32
        %dma_start3A_965 = arith.constant 1 : i32
        %dma_start3A_966 = arith.constant 0 : i32
        %dma_start3A_967 = arith.constant 0 : i32
        %dma_start3A_968 = tpu.memref_slice %arg10[%dma_start3A_965, %dma_start3A_966, %dma_start3A_967] : memref<8x32x128xf32, #tpu.memory_space<vmem>> -> memref<1x32x128xf32, #tpu.memory_space<vmem>>
        %dma_start3A_969 = tpu.memref_squeeze %dma_start3A_968 : memref<1x32x128xf32, #tpu.memory_space<vmem>> -> memref<32x128xf32, #tpu.memory_space<vmem>>
        %dma_start3A_970 = arith.constant 0 : i32
        %dma_start3A_971 = tpu.memref_slice %arg4[%dma_start3A_970, %multiple_of3A_961] : memref<32x1000000xf32, #tpu.memory_space<hbm>> -> memref<32x128xf32, #tpu.memory_space<hbm>>
        %dma_start3A_972 = arith.constant 0 : i32
        %dma_start3A_973 = arith.constant 0 : i32
        %dma_start3A_974 = tpu.memref_slice %arg10[%dma_start3A_965, %dma_start3A_972, %dma_start3A_973] : memref<8x32x128xf32, #tpu.memory_space<vmem>> -> memref<1x32x128xf32, #tpu.memory_space<vmem>>
        %dma_start3A_975 = tpu.memref_squeeze %dma_start3A_974 : memref<1x32x128xf32, #tpu.memory_space<vmem>> -> memref<32x128xf32, #tpu.memory_space<vmem>>
        %dma_start3A_976 = arith.constant 0 : i32
        %dma_start3A_977 = tpu.memref_slice %arg4[%dma_start3A_976, %multiple_of3A_961] : memref<32x1000000xf32, #tpu.memory_space<hbm>> -> memref<32x128xf32, #tpu.memory_space<hbm>>
        tpu.enqueue_dma source(%dma_start3A_977 : memref<32x128xf32, #tpu.memory_space<hbm>>) target(%dma_start3A_975 : memref<32x128xf32, #tpu.memory_space<vmem>>) target_semaphore(%arg15 : memref<!tpu.dma_semaphore, #tpu.memory_space<semaphore_mem>>)
        %dma_start3A_978 = arith.constant 1 : i32
        %dma_start3A_979 = arith.constant 0 : i32
        %dma_start3A_980 = arith.constant 0 : i32
        %dma_start3A_981 = tpu.memref_slice %arg11[%dma_start3A_978, %dma_start3A_979, %dma_start3A_980] : memref<8x32x128xf32, #tpu.memory_space<vmem>> -> memref<1x32x128xf32, #tpu.memory_space<vmem>>
        %dma_start3A_982 = tpu.memref_squeeze %dma_start3A_981 : memref<1x32x128xf32, #tpu.memory_space<vmem>> -> memref<32x128xf32, #tpu.memory_space<vmem>>
        %dma_start3A_983 = arith.constant 0 : i32
        %dma_start3A_984 = tpu.memref_slice %arg5[%dma_start3A_983, %multiple_of3A_964] : memref<32x1000000xf32, #tpu.memory_space<hbm>> -> memref<32x128xf32, #tpu.memory_space<hbm>>
        %dma_start3A_985 = arith.constant 0 : i32
        %dma_start3A_986 = arith.constant 0 : i32
        %dma_start3A_987 = tpu.memref_slice %arg11[%dma_start3A_978, %dma_start3A_985, %dma_start3A_986] : memref<8x32x128xf32, #tpu.memory_space<vmem>> -> memref<1x32x128xf32, #tpu.memory_space<vmem>>
        %dma_start3A_988 = tpu.memref_squeeze %dma_start3A_987 : memref<1x32x128xf32, #tpu.memory_space<vmem>> -> memref<32x128xf32, #tpu.memory_space<vmem>>
        %dma_start3A_989 = arith.constant 0 : i32
        %dma_start3A_990 = tpu.memref_slice %arg5[%dma_start3A_989, %multiple_of3A_964] : memref<32x1000000xf32, #tpu.memory_space<hbm>> -> memref<32x128xf32, #tpu.memory_space<hbm>>
        tpu.enqueue_dma source(%dma_start3A_990 : memref<32x128xf32, #tpu.memory_space<hbm>>) target(%dma_start3A_988 : memref<32x128xf32, #tpu.memory_space<vmem>>) target_semaphore(%arg23 : memref<!tpu.dma_semaphore, #tpu.memory_space<semaphore_mem>>)
      } else {
      }
      %mul3A_463 = arith.constant 8 : i32
      %mul3A_464 = arith.muli %scan3A_297, %mul3A_463 : i32
      %add3A_465 = arith.constant 2 : i32
      %add3A_466 = arith.addi %mul3A_464, %add3A_465 : i32
      %dma_wait3A_467 = arith.constant 2 : i32
      %dma_wait3A_468 = arith.constant 0 : i32
      %dma_wait3A_469 = arith.constant 0 : i32
      %dma_wait3A_470 = tpu.memref_slice %arg10[%dma_wait3A_467, %dma_wait3A_468, %dma_wait3A_469] : memref<8x32x128xf32, #tpu.memory_space<vmem>> -> memref<1x32x128xf32, #tpu.memory_space<vmem>>
      %dma_wait3A_471 = tpu.memref_squeeze %dma_wait3A_470 : memref<1x32x128xf32, #tpu.memory_space<vmem>> -> memref<32x128xf32, #tpu.memory_space<vmem>>
      %dma_wait3A_472 = arith.constant 0 : i32
      %dma_wait3A_473 = arith.constant 0 : i32
      %dma_wait3A_474 = tpu.memref_slice %arg4[%dma_wait3A_472, %dma_wait3A_473] : memref<32x1000000xf32, #tpu.memory_space<hbm>> -> memref<32x128xf32, #tpu.memory_space<hbm>>
      %dma_wait3A_475 = arith.constant 0 : i32
      %dma_wait3A_476 = arith.constant 0 : i32
      %dma_wait3A_477 = tpu.memref_slice %arg10[%dma_wait3A_467, %dma_wait3A_475, %dma_wait3A_476] : memref<8x32x128xf32, #tpu.memory_space<vmem>> -> memref<1x32x128xf32, #tpu.memory_space<vmem>>
      %dma_wait3A_478 = tpu.memref_squeeze %dma_wait3A_477 : memref<1x32x128xf32, #tpu.memory_space<vmem>> -> memref<32x128xf32, #tpu.memory_space<vmem>>
      %dma_wait3A_479 = arith.constant 0 : i32
      %dma_wait3A_480 = arith.constant 0 : i32
      %dma_wait3A_481 = tpu.memref_slice %arg4[%dma_wait3A_479, %dma_wait3A_480] : memref<32x1000000xf32, #tpu.memory_space<hbm>> -> memref<32x128xf32, #tpu.memory_space<hbm>>
      tpu.wait_dma2 semaphore(%arg16 : memref<!tpu.dma_semaphore, #tpu.memory_space<semaphore_mem>>) src(%dma_wait3A_481 : memref<32x128xf32, #tpu.memory_space<hbm>>) dst(%dma_wait3A_478 : memref<32x128xf32, #tpu.memory_space<vmem>>)
      %dma_wait3A_482 = arith.constant 2 : i32
      %dma_wait3A_483 = arith.constant 0 : i32
      %dma_wait3A_484 = arith.constant 0 : i32
      %dma_wait3A_485 = tpu.memref_slice %arg11[%dma_wait3A_482, %dma_wait3A_483, %dma_wait3A_484] : memref<8x32x128xf32, #tpu.memory_space<vmem>> -> memref<1x32x128xf32, #tpu.memory_space<vmem>>
      %dma_wait3A_486 = tpu.memref_squeeze %dma_wait3A_485 : memref<1x32x128xf32, #tpu.memory_space<vmem>> -> memref<32x128xf32, #tpu.memory_space<vmem>>
      %dma_wait3A_487 = arith.constant 0 : i32
      %dma_wait3A_488 = arith.constant 0 : i32
      %dma_wait3A_489 = tpu.memref_slice %arg5[%dma_wait3A_487, %dma_wait3A_488] : memref<32x1000000xf32, #tpu.memory_space<hbm>> -> memref<32x128xf32, #tpu.memory_space<hbm>>
      %dma_wait3A_490 = arith.constant 0 : i32
      %dma_wait3A_491 = arith.constant 0 : i32
      %dma_wait3A_492 = tpu.memref_slice %arg11[%dma_wait3A_482, %dma_wait3A_490, %dma_wait3A_491] : memref<8x32x128xf32, #tpu.memory_space<vmem>> -> memref<1x32x128xf32, #tpu.memory_space<vmem>>
      %dma_wait3A_493 = tpu.memref_squeeze %dma_wait3A_492 : memref<1x32x128xf32, #tpu.memory_space<vmem>> -> memref<32x128xf32, #tpu.memory_space<vmem>>
      %dma_wait3A_494 = arith.constant 0 : i32
      %dma_wait3A_495 = arith.constant 0 : i32
      %dma_wait3A_496 = tpu.memref_slice %arg5[%dma_wait3A_494, %dma_wait3A_495] : memref<32x1000000xf32, #tpu.memory_space<hbm>> -> memref<32x128xf32, #tpu.memory_space<hbm>>
      tpu.wait_dma2 semaphore(%arg24 : memref<!tpu.dma_semaphore, #tpu.memory_space<semaphore_mem>>) src(%dma_wait3A_496 : memref<32x128xf32, #tpu.memory_space<hbm>>) dst(%dma_wait3A_493 : memref<32x128xf32, #tpu.memory_space<vmem>>)
      %slice3A_497 = vector.extract_strided_slice %get3A_301 {offsets = [2], sizes = [1], strides = [1]} : vector<16xi32> to vector<1xi32>
      %squeeze3A_498 = vector.extract %slice3A_497[0] : i32 from vector<1xi32>
      %and3A_499 = arith.constant 127 : i32
      %and3A_500 = arith.andi %squeeze3A_498, %and3A_499 : i32
      %broadcast_in_dim3A_501 = vector.broadcast %and3A_500 : i32 to vector<16xi32>
      %gather3A_502 = arith.constant 2 : i32
      %gather3A_503 = arith.constant 0 : i32
      %gather3A_504 = arith.constant 0 : i32
      %gather3A_505 = tpu.memref_slice %arg10[%gather3A_502, %gather3A_503, %gather3A_504] : memref<8x32x128xf32, #tpu.memory_space<vmem>> -> memref<1x32x128xf32, #tpu.memory_space<vmem>>
      %gather3A_506 = tpu.memref_squeeze %gather3A_505 : memref<1x32x128xf32, #tpu.memory_space<vmem>> -> memref<32x128xf32, #tpu.memory_space<vmem>>
      %gather3A_507 = tpu.vector_load_idx %gather3A_506[%iota3A, %broadcast_in_dim3A_501] : memref<32x128xf32, #tpu.memory_space<vmem>>[vector<16xi32>, vector<16xi32>], vector<16xf32>,
      %gather3A_508 = arith.constant 2 : i32
      %gather3A_509 = arith.constant 0 : i32
      %gather3A_510 = arith.constant 0 : i32
      %gather3A_511 = tpu.memref_slice %arg10[%gather3A_508, %gather3A_509, %gather3A_510] : memref<8x32x128xf32, #tpu.memory_space<vmem>> -> memref<1x32x128xf32, #tpu.memory_space<vmem>>
      %gather3A_512 = tpu.memref_squeeze %gather3A_511 : memref<1x32x128xf32, #tpu.memory_space<vmem>> -> memref<32x128xf32, #tpu.memory_space<vmem>>
      %gather3A_513 = tpu.vector_load_idx %gather3A_512[%add3A_5, %broadcast_in_dim3A_501] : memref<32x128xf32, #tpu.memory_space<vmem>>[vector<16xi32>, vector<16xi32>], vector<16xf32>,
      %swap3A_514 = arith.index_cast %add3A_466 : i32 to index
      %swap3A_515 = arith.constant 0 : index
      %swap3A_516 = tpu.vector_load %arg12[%swap3A_514, %swap3A_515] {strides = array<i32>} : memref<128x32xf32, #tpu.memory_space<vmem>>, vector<16xf32>,
      tpu.vector_store %arg12[%swap3A_514, %swap3A_515], %gather3A_507 {strides = array<i32>} : memref<128x32xf32, #tpu.memory_space<vmem>>, vector<16xf32>,
      %swap3A_517 = arith.index_cast %add3A_466 : i32 to index
      %swap3A_518 = arith.constant 16 : index
      %swap3A_519 = tpu.vector_load %arg12[%swap3A_517, %swap3A_518] {strides = array<i32>} : memref<128x32xf32, #tpu.memory_space<vmem>>, vector<16xf32>,
      tpu.vector_store %arg12[%swap3A_517, %swap3A_518], %gather3A_513 {strides = array<i32>} : memref<128x32xf32, #tpu.memory_space<vmem>>, vector<16xf32>,
      %slice3A_520 = vector.extract_strided_slice %get3A_305 {offsets = [2], sizes = [1], strides = [1]} : vector<16xi32> to vector<1xi32>
      %squeeze3A_521 = vector.extract %slice3A_520[0] : i32 from vector<1xi32>
      %and3A_522 = arith.constant 127 : i32
      %and3A_523 = arith.andi %squeeze3A_521, %and3A_522 : i32
      %broadcast_in_dim3A_524 = vector.broadcast %and3A_523 : i32 to vector<16xi32>
      %broadcast_in_dim3A_525 = vector.broadcast %add3A_466 : i32 to vector<16xi32>
      %gather3A_526 = arith.constant 2 : i32
      %gather3A_527 = arith.constant 0 : i32
      %gather3A_528 = arith.constant 0 : i32
      %gather3A_529 = tpu.memref_slice %arg11[%gather3A_526, %gather3A_527, %gather3A_528] : memref<8x32x128xf32, #tpu.memory_space<vmem>> -> memref<1x32x128xf32, #tpu.memory_space<vmem>>
      %gather3A_530 = tpu.memref_squeeze %gather3A_529 : memref<1x32x128xf32, #tpu.memory_space<vmem>> -> memref<32x128xf32, #tpu.memory_space<vmem>>
      %gather3A_531 = tpu.vector_load_idx %gather3A_530[%iota3A, %broadcast_in_dim3A_524] : memref<32x128xf32, #tpu.memory_space<vmem>>[vector<16xi32>, vector<16xi32>], vector<16xf32>,
      %gather3A_532 = arith.constant 2 : i32
      %gather3A_533 = arith.constant 0 : i32
      %gather3A_534 = arith.constant 0 : i32
      %gather3A_535 = tpu.memref_slice %arg11[%gather3A_532, %gather3A_533, %gather3A_534] : memref<8x32x128xf32, #tpu.memory_space<vmem>> -> memref<1x32x128xf32, #tpu.memory_space<vmem>>
      %gather3A_536 = tpu.memref_squeeze %gather3A_535 : memref<1x32x128xf32, #tpu.memory_space<vmem>> -> memref<32x128xf32, #tpu.memory_space<vmem>>
      %gather3A_537 = tpu.vector_load_idx %gather3A_536[%add3A_5, %broadcast_in_dim3A_524] : memref<32x128xf32, #tpu.memory_space<vmem>>[vector<16xi32>, vector<16xi32>], vector<16xf32>,
      tpu.vector_store_idx %arg13[%iota3A, %broadcast_in_dim3A_525], %gather3A_531 : memref<32x128xf32, #tpu.memory_space<vmem>>[vector<16xi32>, vector<16xi32>], vector<16xf32>,
      tpu.vector_store_idx %arg13[%add3A_5, %broadcast_in_dim3A_525], %gather3A_537 : memref<32x128xf32, #tpu.memory_space<vmem>>[vector<16xi32>, vector<16xi32>], vector<16xf32>,
      %add3A_538 = arith.constant 8 : i32
      %add3A_539 = arith.addi %add3A_466, %add3A_538 : i32
      %lt3A_540 = arith.constant 128 : i32
      %lt3A_541 = arith.cmpi slt, %add3A_539, %lt3A_540 : i32
      %convert_element_type3A_542 = arith.extui %lt3A_541 : i1 to i32
      %cond3A_543 = arith.constant 0 : i32
      %cond3A_544 = arith.cmpi ne, %convert_element_type3A_542, %cond3A_543 : i32
      scf.if %cond3A_544 {
        %slice3A_955 = vector.extract_strided_slice %get3A_301 {offsets = [10], sizes = [1], strides = [1]} : vector<16xi32> to vector<1xi32>
        %squeeze3A_956 = vector.extract %slice3A_955[0] : i32 from vector<1xi32>
        %slice3A_957 = vector.extract_strided_slice %get3A_305 {offsets = [10], sizes = [1], strides = [1]} : vector<16xi32> to vector<1xi32>
        %squeeze3A_958 = vector.extract %slice3A_957[0] : i32 from vector<1xi32>
        %and3A_959 = arith.constant -128 : i32
        %and3A_960 = arith.andi %squeeze3A_956, %and3A_959 : i32
        %multiple_of3A_961 = tpu.assume_multiple %and3A_960, 128 : i32
        %and3A_962 = arith.constant -128 : i32
        %and3A_963 = arith.andi %squeeze3A_958, %and3A_962 : i32
        %multiple_of3A_964 = tpu.assume_multiple %and3A_963, 128 : i32
        %dma_start3A_965 = arith.constant 2 : i32
        %dma_start3A_966 = arith.constant 0 : i32
        %dma_start3A_967 = arith.constant 0 : i32
        %dma_start3A_968 = tpu.memref_slice %arg10[%dma_start3A_965, %dma_start3A_966, %dma_start3A_967] : memref<8x32x128xf32, #tpu.memory_space<vmem>> -> memref<1x32x128xf32, #tpu.memory_space<vmem>>
        %dma_start3A_969 = tpu.memref_squeeze %dma_start3A_968 : memref<1x32x128xf32, #tpu.memory_space<vmem>> -> memref<32x128xf32, #tpu.memory_space<vmem>>
        %dma_start3A_970 = arith.constant 0 : i32
        %dma_start3A_971 = tpu.memref_slice %arg4[%dma_start3A_970, %multiple_of3A_961] : memref<32x1000000xf32, #tpu.memory_space<hbm>> -> memref<32x128xf32, #tpu.memory_space<hbm>>
        %dma_start3A_972 = arith.constant 0 : i32
        %dma_start3A_973 = arith.constant 0 : i32
        %dma_start3A_974 = tpu.memref_slice %arg10[%dma_start3A_965, %dma_start3A_972, %dma_start3A_973] : memref<8x32x128xf32, #tpu.memory_space<vmem>> -> memref<1x32x128xf32, #tpu.memory_space<vmem>>
        %dma_start3A_975 = tpu.memref_squeeze %dma_start3A_974 : memref<1x32x128xf32, #tpu.memory_space<vmem>> -> memref<32x128xf32, #tpu.memory_space<vmem>>
        %dma_start3A_976 = arith.constant 0 : i32
        %dma_start3A_977 = tpu.memref_slice %arg4[%dma_start3A_976, %multiple_of3A_961] : memref<32x1000000xf32, #tpu.memory_space<hbm>> -> memref<32x128xf32, #tpu.memory_space<hbm>>
        tpu.enqueue_dma source(%dma_start3A_977 : memref<32x128xf32, #tpu.memory_space<hbm>>) target(%dma_start3A_975 : memref<32x128xf32, #tpu.memory_space<vmem>>) target_semaphore(%arg16 : memref<!tpu.dma_semaphore, #tpu.memory_space<semaphore_mem>>)
        %dma_start3A_978 = arith.constant 2 : i32
        %dma_start3A_979 = arith.constant 0 : i32
        %dma_start3A_980 = arith.constant 0 : i32
        %dma_start3A_981 = tpu.memref_slice %arg11[%dma_start3A_978, %dma_start3A_979, %dma_start3A_980] : memref<8x32x128xf32, #tpu.memory_space<vmem>> -> memref<1x32x128xf32, #tpu.memory_space<vmem>>
        %dma_start3A_982 = tpu.memref_squeeze %dma_start3A_981 : memref<1x32x128xf32, #tpu.memory_space<vmem>> -> memref<32x128xf32, #tpu.memory_space<vmem>>
        %dma_start3A_983 = arith.constant 0 : i32
        %dma_start3A_984 = tpu.memref_slice %arg5[%dma_start3A_983, %multiple_of3A_964] : memref<32x1000000xf32, #tpu.memory_space<hbm>> -> memref<32x128xf32, #tpu.memory_space<hbm>>
        %dma_start3A_985 = arith.constant 0 : i32
        %dma_start3A_986 = arith.constant 0 : i32
        %dma_start3A_987 = tpu.memref_slice %arg11[%dma_start3A_978, %dma_start3A_985, %dma_start3A_986] : memref<8x32x128xf32, #tpu.memory_space<vmem>> -> memref<1x32x128xf32, #tpu.memory_space<vmem>>
        %dma_start3A_988 = tpu.memref_squeeze %dma_start3A_987 : memref<1x32x128xf32, #tpu.memory_space<vmem>> -> memref<32x128xf32, #tpu.memory_space<vmem>>
        %dma_start3A_989 = arith.constant 0 : i32
        %dma_start3A_990 = tpu.memref_slice %arg5[%dma_start3A_989, %multiple_of3A_964] : memref<32x1000000xf32, #tpu.memory_space<hbm>> -> memref<32x128xf32, #tpu.memory_space<hbm>>
        tpu.enqueue_dma source(%dma_start3A_990 : memref<32x128xf32, #tpu.memory_space<hbm>>) target(%dma_start3A_988 : memref<32x128xf32, #tpu.memory_space<vmem>>) target_semaphore(%arg24 : memref<!tpu.dma_semaphore, #tpu.memory_space<semaphore_mem>>)
      } else {
      }
      %mul3A_545 = arith.constant 8 : i32
      %mul3A_546 = arith.muli %scan3A_297, %mul3A_545 : i32
      %add3A_547 = arith.constant 3 : i32
      %add3A_548 = arith.addi %mul3A_546, %add3A_547 : i32
      %dma_wait3A_549 = arith.constant 3 : i32
      %dma_wait3A_550 = arith.constant 0 : i32
      %dma_wait3A_551 = arith.constant 0 : i32
      %dma_wait3A_552 = tpu.memref_slice %arg10[%dma_wait3A_549, %dma_wait3A_550, %dma_wait3A_551] : memref<8x32x128xf32, #tpu.memory_space<vmem>> -> memref<1x32x128xf32, #tpu.memory_space<vmem>>
      %dma_wait3A_553 = tpu.memref_squeeze %dma_wait3A_552 : memref<1x32x128xf32, #tpu.memory_space<vmem>> -> memref<32x128xf32, #tpu.memory_space<vmem>>
      %dma_wait3A_554 = arith.constant 0 : i32
      %dma_wait3A_555 = arith.constant 0 : i32
      %dma_wait3A_556 = tpu.memref_slice %arg4[%dma_wait3A_554, %dma_wait3A_555] : memref<32x1000000xf32, #tpu.memory_space<hbm>> -> memref<32x128xf32, #tpu.memory_space<hbm>>
      %dma_wait3A_557 = arith.constant 0 : i32
      %dma_wait3A_558 = arith.constant 0 : i32
      %dma_wait3A_559 = tpu.memref_slice %arg10[%dma_wait3A_549, %dma_wait3A_557, %dma_wait3A_558] : memref<8x32x128xf32, #tpu.memory_space<vmem>> -> memref<1x32x128xf32, #tpu.memory_space<vmem>>
      %dma_wait3A_560 = tpu.memref_squeeze %dma_wait3A_559 : memref<1x32x128xf32, #tpu.memory_space<vmem>> -> memref<32x128xf32, #tpu.memory_space<vmem>>
      %dma_wait3A_561 = arith.constant 0 : i32
      %dma_wait3A_562 = arith.constant 0 : i32
      %dma_wait3A_563 = tpu.memref_slice %arg4[%dma_wait3A_561, %dma_wait3A_562] : memref<32x1000000xf32, #tpu.memory_space<hbm>> -> memref<32x128xf32, #tpu.memory_space<hbm>>
      tpu.wait_dma2 semaphore(%arg17 : memref<!tpu.dma_semaphore, #tpu.memory_space<semaphore_mem>>) src(%dma_wait3A_563 : memref<32x128xf32, #tpu.memory_space<hbm>>) dst(%dma_wait3A_560 : memref<32x128xf32, #tpu.memory_space<vmem>>)
      %dma_wait3A_564 = arith.constant 3 : i32
      %dma_wait3A_565 = arith.constant 0 : i32
      %dma_wait3A_566 = arith.constant 0 : i32
      %dma_wait3A_567 = tpu.memref_slice %arg11[%dma_wait3A_564, %dma_wait3A_565, %dma_wait3A_566] : memref<8x32x128xf32, #tpu.memory_space<vmem>> -> memref<1x32x128xf32, #tpu.memory_space<vmem>>
      %dma_wait3A_568 = tpu.memref_squeeze %dma_wait3A_567 : memref<1x32x128xf32, #tpu.memory_space<vmem>> -> memref<32x128xf32, #tpu.memory_space<vmem>>
      %dma_wait3A_569 = arith.constant 0 : i32
      %dma_wait3A_570 = arith.constant 0 : i32
      %dma_wait3A_571 = tpu.memref_slice %arg5[%dma_wait3A_569, %dma_wait3A_570] : memref<32x1000000xf32, #tpu.memory_space<hbm>> -> memref<32x128xf32, #tpu.memory_space<hbm>>
      %dma_wait3A_572 = arith.constant 0 : i32
      %dma_wait3A_573 = arith.constant 0 : i32
      %dma_wait3A_574 = tpu.memref_slice %arg11[%dma_wait3A_564, %dma_wait3A_572, %dma_wait3A_573] : memref<8x32x128xf32, #tpu.memory_space<vmem>> -> memref<1x32x128xf32, #tpu.memory_space<vmem>>
      %dma_wait3A_575 = tpu.memref_squeeze %dma_wait3A_574 : memref<1x32x128xf32, #tpu.memory_space<vmem>> -> memref<32x128xf32, #tpu.memory_space<vmem>>
      %dma_wait3A_576 = arith.constant 0 : i32
      %dma_wait3A_577 = arith.constant 0 : i32
      %dma_wait3A_578 = tpu.memref_slice %arg5[%dma_wait3A_576, %dma_wait3A_577] : memref<32x1000000xf32, #tpu.memory_space<hbm>> -> memref<32x128xf32, #tpu.memory_space<hbm>>
      tpu.wait_dma2 semaphore(%arg25 : memref<!tpu.dma_semaphore, #tpu.memory_space<semaphore_mem>>) src(%dma_wait3A_578 : memref<32x128xf32, #tpu.memory_space<hbm>>) dst(%dma_wait3A_575 : memref<32x128xf32, #tpu.memory_space<vmem>>)
      %slice3A_579 = vector.extract_strided_slice %get3A_301 {offsets = [3], sizes = [1], strides = [1]} : vector<16xi32> to vector<1xi32>
      %squeeze3A_580 = vector.extract %slice3A_579[0] : i32 from vector<1xi32>
      %and3A_581 = arith.constant 127 : i32
      %and3A_582 = arith.andi %squeeze3A_580, %and3A_581 : i32
      %broadcast_in_dim3A_583 = vector.broadcast %and3A_582 : i32 to vector<16xi32>
      %gather3A_584 = arith.constant 3 : i32
      %gather3A_585 = arith.constant 0 : i32
      %gather3A_586 = arith.constant 0 : i32
      %gather3A_587 = tpu.memref_slice %arg10[%gather3A_584, %gather3A_585, %gather3A_586] : memref<8x32x128xf32, #tpu.memory_space<vmem>> -> memref<1x32x128xf32, #tpu.memory_space<vmem>>
      %gather3A_588 = tpu.memref_squeeze %gather3A_587 : memref<1x32x128xf32, #tpu.memory_space<vmem>> -> memref<32x128xf32, #tpu.memory_space<vmem>>
      %gather3A_589 = tpu.vector_load_idx %gather3A_588[%iota3A, %broadcast_in_dim3A_583] : memref<32x128xf32, #tpu.memory_space<vmem>>[vector<16xi32>, vector<16xi32>], vector<16xf32>,
      %gather3A_590 = arith.constant 3 : i32
      %gather3A_591 = arith.constant 0 : i32
      %gather3A_592 = arith.constant 0 : i32
      %gather3A_593 = tpu.memref_slice %arg10[%gather3A_590, %gather3A_591, %gather3A_592] : memref<8x32x128xf32, #tpu.memory_space<vmem>> -> memref<1x32x128xf32, #tpu.memory_space<vmem>>
      %gather3A_594 = tpu.memref_squeeze %gather3A_593 : memref<1x32x128xf32, #tpu.memory_space<vmem>> -> memref<32x128xf32, #tpu.memory_space<vmem>>
      %gather3A_595 = tpu.vector_load_idx %gather3A_594[%add3A_5, %broadcast_in_dim3A_583] : memref<32x128xf32, #tpu.memory_space<vmem>>[vector<16xi32>, vector<16xi32>], vector<16xf32>,
      %swap3A_596 = arith.index_cast %add3A_548 : i32 to index
      %swap3A_597 = arith.constant 0 : index
      %swap3A_598 = tpu.vector_load %arg12[%swap3A_596, %swap3A_597] {strides = array<i32>} : memref<128x32xf32, #tpu.memory_space<vmem>>, vector<16xf32>,
      tpu.vector_store %arg12[%swap3A_596, %swap3A_597], %gather3A_589 {strides = array<i32>} : memref<128x32xf32, #tpu.memory_space<vmem>>, vector<16xf32>,
      %swap3A_599 = arith.index_cast %add3A_548 : i32 to index
      %swap3A_600 = arith.constant 16 : index
      %swap3A_601 = tpu.vector_load %arg12[%swap3A_599, %swap3A_600] {strides = array<i32>} : memref<128x32xf32, #tpu.memory_space<vmem>>, vector<16xf32>,
      tpu.vector_store %arg12[%swap3A_599, %swap3A_600], %gather3A_595 {strides = array<i32>} : memref<128x32xf32, #tpu.memory_space<vmem>>, vector<16xf32>,
      %slice3A_602 = vector.extract_strided_slice %get3A_305 {offsets = [3], sizes = [1], strides = [1]} : vector<16xi32> to vector<1xi32>
      %squeeze3A_603 = vector.extract %slice3A_602[0] : i32 from vector<1xi32>
      %and3A_604 = arith.constant 127 : i32
      %and3A_605 = arith.andi %squeeze3A_603, %and3A_604 : i32
      %broadcast_in_dim3A_606 = vector.broadcast %and3A_605 : i32 to vector<16xi32>
      %broadcast_in_dim3A_607 = vector.broadcast %add3A_548 : i32 to vector<16xi32>
      %gather3A_608 = arith.constant 3 : i32
      %gather3A_609 = arith.constant 0 : i32
      %gather3A_610 = arith.constant 0 : i32
      %gather3A_611 = tpu.memref_slice %arg11[%gather3A_608, %gather3A_609, %gather3A_610] : memref<8x32x128xf32, #tpu.memory_space<vmem>> -> memref<1x32x128xf32, #tpu.memory_space<vmem>>
      %gather3A_612 = tpu.memref_squeeze %gather3A_611 : memref<1x32x128xf32, #tpu.memory_space<vmem>> -> memref<32x128xf32, #tpu.memory_space<vmem>>
      %gather3A_613 = tpu.vector_load_idx %gather3A_612[%iota3A, %broadcast_in_dim3A_606] : memref<32x128xf32, #tpu.memory_space<vmem>>[vector<16xi32>, vector<16xi32>], vector<16xf32>,
      %gather3A_614 = arith.constant 3 : i32
      %gather3A_615 = arith.constant 0 : i32
      %gather3A_616 = arith.constant 0 : i32
      %gather3A_617 = tpu.memref_slice %arg11[%gather3A_614, %gather3A_615, %gather3A_616] : memref<8x32x128xf32, #tpu.memory_space<vmem>> -> memref<1x32x128xf32, #tpu.memory_space<vmem>>
      %gather3A_618 = tpu.memref_squeeze %gather3A_617 : memref<1x32x128xf32, #tpu.memory_space<vmem>> -> memref<32x128xf32, #tpu.memory_space<vmem>>
      %gather3A_619 = tpu.vector_load_idx %gather3A_618[%add3A_5, %broadcast_in_dim3A_606] : memref<32x128xf32, #tpu.memory_space<vmem>>[vector<16xi32>, vector<16xi32>], vector<16xf32>,
      tpu.vector_store_idx %arg13[%iota3A, %broadcast_in_dim3A_607], %gather3A_613 : memref<32x128xf32, #tpu.memory_space<vmem>>[vector<16xi32>, vector<16xi32>], vector<16xf32>,
      tpu.vector_store_idx %arg13[%add3A_5, %broadcast_in_dim3A_607], %gather3A_619 : memref<32x128xf32, #tpu.memory_space<vmem>>[vector<16xi32>, vector<16xi32>], vector<16xf32>,
      %add3A_620 = arith.constant 8 : i32
      %add3A_621 = arith.addi %add3A_548, %add3A_620 : i32
      %lt3A_622 = arith.constant 128 : i32
      %lt3A_623 = arith.cmpi slt, %add3A_621, %lt3A_622 : i32
      %convert_element_type3A_624 = arith.extui %lt3A_623 : i1 to i32
      %cond3A_625 = arith.constant 0 : i32
      %cond3A_626 = arith.cmpi ne, %convert_element_type3A_624, %cond3A_625 : i32
      scf.if %cond3A_626 {
        %slice3A_955 = vector.extract_strided_slice %get3A_301 {offsets = [11], sizes = [1], strides = [1]} : vector<16xi32> to vector<1xi32>
        %squeeze3A_956 = vector.extract %slice3A_955[0] : i32 from vector<1xi32>
        %slice3A_957 = vector.extract_strided_slice %get3A_305 {offsets = [11], sizes = [1], strides = [1]} : vector<16xi32> to vector<1xi32>
        %squeeze3A_958 = vector.extract %slice3A_957[0] : i32 from vector<1xi32>
        %and3A_959 = arith.constant -128 : i32
        %and3A_960 = arith.andi %squeeze3A_956, %and3A_959 : i32
        %multiple_of3A_961 = tpu.assume_multiple %and3A_960, 128 : i32
        %and3A_962 = arith.constant -128 : i32
        %and3A_963 = arith.andi %squeeze3A_958, %and3A_962 : i32
        %multiple_of3A_964 = tpu.assume_multiple %and3A_963, 128 : i32
        %dma_start3A_965 = arith.constant 3 : i32
        %dma_start3A_966 = arith.constant 0 : i32
        %dma_start3A_967 = arith.constant 0 : i32
        %dma_start3A_968 = tpu.memref_slice %arg10[%dma_start3A_965, %dma_start3A_966, %dma_start3A_967] : memref<8x32x128xf32, #tpu.memory_space<vmem>> -> memref<1x32x128xf32, #tpu.memory_space<vmem>>
        %dma_start3A_969 = tpu.memref_squeeze %dma_start3A_968 : memref<1x32x128xf32, #tpu.memory_space<vmem>> -> memref<32x128xf32, #tpu.memory_space<vmem>>
        %dma_start3A_970 = arith.constant 0 : i32
        %dma_start3A_971 = tpu.memref_slice %arg4[%dma_start3A_970, %multiple_of3A_961] : memref<32x1000000xf32, #tpu.memory_space<hbm>> -> memref<32x128xf32, #tpu.memory_space<hbm>>
        %dma_start3A_972 = arith.constant 0 : i32
        %dma_start3A_973 = arith.constant 0 : i32
        %dma_start3A_974 = tpu.memref_slice %arg10[%dma_start3A_965, %dma_start3A_972, %dma_start3A_973] : memref<8x32x128xf32, #tpu.memory_space<vmem>> -> memref<1x32x128xf32, #tpu.memory_space<vmem>>
        %dma_start3A_975 = tpu.memref_squeeze %dma_start3A_974 : memref<1x32x128xf32, #tpu.memory_space<vmem>> -> memref<32x128xf32, #tpu.memory_space<vmem>>
        %dma_start3A_976 = arith.constant 0 : i32
        %dma_start3A_977 = tpu.memref_slice %arg4[%dma_start3A_976, %multiple_of3A_961] : memref<32x1000000xf32, #tpu.memory_space<hbm>> -> memref<32x128xf32, #tpu.memory_space<hbm>>
        tpu.enqueue_dma source(%dma_start3A_977 : memref<32x128xf32, #tpu.memory_space<hbm>>) target(%dma_start3A_975 : memref<32x128xf32, #tpu.memory_space<vmem>>) target_semaphore(%arg17 : memref<!tpu.dma_semaphore, #tpu.memory_space<semaphore_mem>>)
        %dma_start3A_978 = arith.constant 3 : i32
        %dma_start3A_979 = arith.constant 0 : i32
        %dma_start3A_980 = arith.constant 0 : i32
        %dma_start3A_981 = tpu.memref_slice %arg11[%dma_start3A_978, %dma_start3A_979, %dma_start3A_980] : memref<8x32x128xf32, #tpu.memory_space<vmem>> -> memref<1x32x128xf32, #tpu.memory_space<vmem>>
        %dma_start3A_982 = tpu.memref_squeeze %dma_start3A_981 : memref<1x32x128xf32, #tpu.memory_space<vmem>> -> memref<32x128xf32, #tpu.memory_space<vmem>>
        %dma_start3A_983 = arith.constant 0 : i32
        %dma_start3A_984 = tpu.memref_slice %arg5[%dma_start3A_983, %multiple_of3A_964] : memref<32x1000000xf32, #tpu.memory_space<hbm>> -> memref<32x128xf32, #tpu.memory_space<hbm>>
        %dma_start3A_985 = arith.constant 0 : i32
        %dma_start3A_986 = arith.constant 0 : i32
        %dma_start3A_987 = tpu.memref_slice %arg11[%dma_start3A_978, %dma_start3A_985, %dma_start3A_986] : memref<8x32x128xf32, #tpu.memory_space<vmem>> -> memref<1x32x128xf32, #tpu.memory_space<vmem>>
        %dma_start3A_988 = tpu.memref_squeeze %dma_start3A_987 : memref<1x32x128xf32, #tpu.memory_space<vmem>> -> memref<32x128xf32, #tpu.memory_space<vmem>>
        %dma_start3A_989 = arith.constant 0 : i32
        %dma_start3A_990 = tpu.memref_slice %arg5[%dma_start3A_989, %multiple_of3A_964] : memref<32x1000000xf32, #tpu.memory_space<hbm>> -> memref<32x128xf32, #tpu.memory_space<hbm>>
        tpu.enqueue_dma source(%dma_start3A_990 : memref<32x128xf32, #tpu.memory_space<hbm>>) target(%dma_start3A_988 : memref<32x128xf32, #tpu.memory_space<vmem>>) target_semaphore(%arg25 : memref<!tpu.dma_semaphore, #tpu.memory_space<semaphore_mem>>)
      } else {
      }
      %mul3A_627 = arith.constant 8 : i32
      %mul3A_628 = arith.muli %scan3A_297, %mul3A_627 : i32
      %add3A_629 = arith.constant 4 : i32
      %add3A_630 = arith.addi %mul3A_628, %add3A_629 : i32
      %dma_wait3A_631 = arith.constant 4 : i32
      %dma_wait3A_632 = arith.constant 0 : i32
      %dma_wait3A_633 = arith.constant 0 : i32
      %dma_wait3A_634 = tpu.memref_slice %arg10[%dma_wait3A_631, %dma_wait3A_632, %dma_wait3A_633] : memref<8x32x128xf32, #tpu.memory_space<vmem>> -> memref<1x32x128xf32, #tpu.memory_space<vmem>>
      %dma_wait3A_635 = tpu.memref_squeeze %dma_wait3A_634 : memref<1x32x128xf32, #tpu.memory_space<vmem>> -> memref<32x128xf32, #tpu.memory_space<vmem>>
      %dma_wait3A_636 = arith.constant 0 : i32
      %dma_wait3A_637 = arith.constant 0 : i32
      %dma_wait3A_638 = tpu.memref_slice %arg4[%dma_wait3A_636, %dma_wait3A_637] : memref<32x1000000xf32, #tpu.memory_space<hbm>> -> memref<32x128xf32, #tpu.memory_space<hbm>>
      %dma_wait3A_639 = arith.constant 0 : i32
      %dma_wait3A_640 = arith.constant 0 : i32
      %dma_wait3A_641 = tpu.memref_slice %arg10[%dma_wait3A_631, %dma_wait3A_639, %dma_wait3A_640] : memref<8x32x128xf32, #tpu.memory_space<vmem>> -> memref<1x32x128xf32, #tpu.memory_space<vmem>>
      %dma_wait3A_642 = tpu.memref_squeeze %dma_wait3A_641 : memref<1x32x128xf32, #tpu.memory_space<vmem>> -> memref<32x128xf32, #tpu.memory_space<vmem>>
      %dma_wait3A_643 = arith.constant 0 : i32
      %dma_wait3A_644 = arith.constant 0 : i32
      %dma_wait3A_645 = tpu.memref_slice %arg4[%dma_wait3A_643, %dma_wait3A_644] : memref<32x1000000xf32, #tpu.memory_space<hbm>> -> memref<32x128xf32, #tpu.memory_space<hbm>>
      tpu.wait_dma2 semaphore(%arg18 : memref<!tpu.dma_semaphore, #tpu.memory_space<semaphore_mem>>) src(%dma_wait3A_645 : memref<32x128xf32, #tpu.memory_space<hbm>>) dst(%dma_wait3A_642 : memref<32x128xf32, #tpu.memory_space<vmem>>)
      %dma_wait3A_646 = arith.constant 4 : i32
      %dma_wait3A_647 = arith.constant 0 : i32
      %dma_wait3A_648 = arith.constant 0 : i32
      %dma_wait3A_649 = tpu.memref_slice %arg11[%dma_wait3A_646, %dma_wait3A_647, %dma_wait3A_648] : memref<8x32x128xf32, #tpu.memory_space<vmem>> -> memref<1x32x128xf32, #tpu.memory_space<vmem>>
      %dma_wait3A_650 = tpu.memref_squeeze %dma_wait3A_649 : memref<1x32x128xf32, #tpu.memory_space<vmem>> -> memref<32x128xf32, #tpu.memory_space<vmem>>
      %dma_wait3A_651 = arith.constant 0 : i32
      %dma_wait3A_652 = arith.constant 0 : i32
      %dma_wait3A_653 = tpu.memref_slice %arg5[%dma_wait3A_651, %dma_wait3A_652] : memref<32x1000000xf32, #tpu.memory_space<hbm>> -> memref<32x128xf32, #tpu.memory_space<hbm>>
      %dma_wait3A_654 = arith.constant 0 : i32
      %dma_wait3A_655 = arith.constant 0 : i32
      %dma_wait3A_656 = tpu.memref_slice %arg11[%dma_wait3A_646, %dma_wait3A_654, %dma_wait3A_655] : memref<8x32x128xf32, #tpu.memory_space<vmem>> -> memref<1x32x128xf32, #tpu.memory_space<vmem>>
      %dma_wait3A_657 = tpu.memref_squeeze %dma_wait3A_656 : memref<1x32x128xf32, #tpu.memory_space<vmem>> -> memref<32x128xf32, #tpu.memory_space<vmem>>
      %dma_wait3A_658 = arith.constant 0 : i32
      %dma_wait3A_659 = arith.constant 0 : i32
      %dma_wait3A_660 = tpu.memref_slice %arg5[%dma_wait3A_658, %dma_wait3A_659] : memref<32x1000000xf32, #tpu.memory_space<hbm>> -> memref<32x128xf32, #tpu.memory_space<hbm>>
      tpu.wait_dma2 semaphore(%arg26 : memref<!tpu.dma_semaphore, #tpu.memory_space<semaphore_mem>>) src(%dma_wait3A_660 : memref<32x128xf32, #tpu.memory_space<hbm>>) dst(%dma_wait3A_657 : memref<32x128xf32, #tpu.memory_space<vmem>>)
      %slice3A_661 = vector.extract_strided_slice %get3A_301 {offsets = [4], sizes = [1], strides = [1]} : vector<16xi32> to vector<1xi32>
      %squeeze3A_662 = vector.extract %slice3A_661[0] : i32 from vector<1xi32>
      %and3A_663 = arith.constant 127 : i32
      %and3A_664 = arith.andi %squeeze3A_662, %and3A_663 : i32
      %broadcast_in_dim3A_665 = vector.broadcast %and3A_664 : i32 to vector<16xi32>
      %gather3A_666 = arith.constant 4 : i32
      %gather3A_667 = arith.constant 0 : i32
      %gather3A_668 = arith.constant 0 : i32
      %gather3A_669 = tpu.memref_slice %arg10[%gather3A_666, %gather3A_667, %gather3A_668] : memref<8x32x128xf32, #tpu.memory_space<vmem>> -> memref<1x32x128xf32, #tpu.memory_space<vmem>>
      %gather3A_670 = tpu.memref_squeeze %gather3A_669 : memref<1x32x128xf32, #tpu.memory_space<vmem>> -> memref<32x128xf32, #tpu.memory_space<vmem>>
      %gather3A_671 = tpu.vector_load_idx %gather3A_670[%iota3A, %broadcast_in_dim3A_665] : memref<32x128xf32, #tpu.memory_space<vmem>>[vector<16xi32>, vector<16xi32>], vector<16xf32>,
      %gather3A_672 = arith.constant 4 : i32
      %gather3A_673 = arith.constant 0 : i32
      %gather3A_674 = arith.constant 0 : i32
      %gather3A_675 = tpu.memref_slice %arg10[%gather3A_672, %gather3A_673, %gather3A_674] : memref<8x32x128xf32, #tpu.memory_space<vmem>> -> memref<1x32x128xf32, #tpu.memory_space<vmem>>
      %gather3A_676 = tpu.memref_squeeze %gather3A_675 : memref<1x32x128xf32, #tpu.memory_space<vmem>> -> memref<32x128xf32, #tpu.memory_space<vmem>>
      %gather3A_677 = tpu.vector_load_idx %gather3A_676[%add3A_5, %broadcast_in_dim3A_665] : memref<32x128xf32, #tpu.memory_space<vmem>>[vector<16xi32>, vector<16xi32>], vector<16xf32>,
      %swap3A_678 = arith.index_cast %add3A_630 : i32 to index
      %swap3A_679 = arith.constant 0 : index
      %swap3A_680 = tpu.vector_load %arg12[%swap3A_678, %swap3A_679] {strides = array<i32>} : memref<128x32xf32, #tpu.memory_space<vmem>>, vector<16xf32>,
      tpu.vector_store %arg12[%swap3A_678, %swap3A_679], %gather3A_671 {strides = array<i32>} : memref<128x32xf32, #tpu.memory_space<vmem>>, vector<16xf32>,
      %swap3A_681 = arith.index_cast %add3A_630 : i32 to index
      %swap3A_682 = arith.constant 16 : index
      %swap3A_683 = tpu.vector_load %arg12[%swap3A_681, %swap3A_682] {strides = array<i32>} : memref<128x32xf32, #tpu.memory_space<vmem>>, vector<16xf32>,
      tpu.vector_store %arg12[%swap3A_681, %swap3A_682], %gather3A_677 {strides = array<i32>} : memref<128x32xf32, #tpu.memory_space<vmem>>, vector<16xf32>,
      %slice3A_684 = vector.extract_strided_slice %get3A_305 {offsets = [4], sizes = [1], strides = [1]} : vector<16xi32> to vector<1xi32>
      %squeeze3A_685 = vector.extract %slice3A_684[0] : i32 from vector<1xi32>
      %and3A_686 = arith.constant 127 : i32
      %and3A_687 = arith.andi %squeeze3A_685, %and3A_686 : i32
      %broadcast_in_dim3A_688 = vector.broadcast %and3A_687 : i32 to vector<16xi32>
      %broadcast_in_dim3A_689 = vector.broadcast %add3A_630 : i32 to vector<16xi32>
      %gather3A_690 = arith.constant 4 : i32
      %gather3A_691 = arith.constant 0 : i32
      %gather3A_692 = arith.constant 0 : i32
      %gather3A_693 = tpu.memref_slice %arg11[%gather3A_690, %gather3A_691, %gather3A_692] : memref<8x32x128xf32, #tpu.memory_space<vmem>> -> memref<1x32x128xf32, #tpu.memory_space<vmem>>
      %gather3A_694 = tpu.memref_squeeze %gather3A_693 : memref<1x32x128xf32, #tpu.memory_space<vmem>> -> memref<32x128xf32, #tpu.memory_space<vmem>>
      %gather3A_695 = tpu.vector_load_idx %gather3A_694[%iota3A, %broadcast_in_dim3A_688] : memref<32x128xf32, #tpu.memory_space<vmem>>[vector<16xi32>, vector<16xi32>], vector<16xf32>,
      %gather3A_696 = arith.constant 4 : i32
      %gather3A_697 = arith.constant 0 : i32
      %gather3A_698 = arith.constant 0 : i32
      %gather3A_699 = tpu.memref_slice %arg11[%gather3A_696, %gather3A_697, %gather3A_698] : memref<8x32x128xf32, #tpu.memory_space<vmem>> -> memref<1x32x128xf32, #tpu.memory_space<vmem>>
      %gather3A_700 = tpu.memref_squeeze %gather3A_699 : memref<1x32x128xf32, #tpu.memory_space<vmem>> -> memref<32x128xf32, #tpu.memory_space<vmem>>
      %gather3A_701 = tpu.vector_load_idx %gather3A_700[%add3A_5, %broadcast_in_dim3A_688] : memref<32x128xf32, #tpu.memory_space<vmem>>[vector<16xi32>, vector<16xi32>], vector<16xf32>,
      tpu.vector_store_idx %arg13[%iota3A, %broadcast_in_dim3A_689], %gather3A_695 : memref<32x128xf32, #tpu.memory_space<vmem>>[vector<16xi32>, vector<16xi32>], vector<16xf32>,
      tpu.vector_store_idx %arg13[%add3A_5, %broadcast_in_dim3A_689], %gather3A_701 : memref<32x128xf32, #tpu.memory_space<vmem>>[vector<16xi32>, vector<16xi32>], vector<16xf32>,
      %add3A_702 = arith.constant 8 : i32
      %add3A_703 = arith.addi %add3A_630, %add3A_702 : i32
      %lt3A_704 = arith.constant 128 : i32
      %lt3A_705 = arith.cmpi slt, %add3A_703, %lt3A_704 : i32
      %convert_element_type3A_706 = arith.extui %lt3A_705 : i1 to i32
      %cond3A_707 = arith.constant 0 : i32
      %cond3A_708 = arith.cmpi ne, %convert_element_type3A_706, %cond3A_707 : i32
      scf.if %cond3A_708 {
        %slice3A_955 = vector.extract_strided_slice %get3A_301 {offsets = [12], sizes = [1], strides = [1]} : vector<16xi32> to vector<1xi32>
        %squeeze3A_956 = vector.extract %slice3A_955[0] : i32 from vector<1xi32>
        %slice3A_957 = vector.extract_strided_slice %get3A_305 {offsets = [12], sizes = [1], strides = [1]} : vector<16xi32> to vector<1xi32>
        %squeeze3A_958 = vector.extract %slice3A_957[0] : i32 from vector<1xi32>
        %and3A_959 = arith.constant -128 : i32
        %and3A_960 = arith.andi %squeeze3A_956, %and3A_959 : i32
        %multiple_of3A_961 = tpu.assume_multiple %and3A_960, 128 : i32
        %and3A_962 = arith.constant -128 : i32
        %and3A_963 = arith.andi %squeeze3A_958, %and3A_962 : i32
        %multiple_of3A_964 = tpu.assume_multiple %and3A_963, 128 : i32
        %dma_start3A_965 = arith.constant 4 : i32
        %dma_start3A_966 = arith.constant 0 : i32
        %dma_start3A_967 = arith.constant 0 : i32
        %dma_start3A_968 = tpu.memref_slice %arg10[%dma_start3A_965, %dma_start3A_966, %dma_start3A_967] : memref<8x32x128xf32, #tpu.memory_space<vmem>> -> memref<1x32x128xf32, #tpu.memory_space<vmem>>
        %dma_start3A_969 = tpu.memref_squeeze %dma_start3A_968 : memref<1x32x128xf32, #tpu.memory_space<vmem>> -> memref<32x128xf32, #tpu.memory_space<vmem>>
        %dma_start3A_970 = arith.constant 0 : i32
        %dma_start3A_971 = tpu.memref_slice %arg4[%dma_start3A_970, %multiple_of3A_961] : memref<32x1000000xf32, #tpu.memory_space<hbm>> -> memref<32x128xf32, #tpu.memory_space<hbm>>
        %dma_start3A_972 = arith.constant 0 : i32
        %dma_start3A_973 = arith.constant 0 : i32
        %dma_start3A_974 = tpu.memref_slice %arg10[%dma_start3A_965, %dma_start3A_972, %dma_start3A_973] : memref<8x32x128xf32, #tpu.memory_space<vmem>> -> memref<1x32x128xf32, #tpu.memory_space<vmem>>
        %dma_start3A_975 = tpu.memref_squeeze %dma_start3A_974 : memref<1x32x128xf32, #tpu.memory_space<vmem>> -> memref<32x128xf32, #tpu.memory_space<vmem>>
        %dma_start3A_976 = arith.constant 0 : i32
        %dma_start3A_977 = tpu.memref_slice %arg4[%dma_start3A_976, %multiple_of3A_961] : memref<32x1000000xf32, #tpu.memory_space<hbm>> -> memref<32x128xf32, #tpu.memory_space<hbm>>
        tpu.enqueue_dma source(%dma_start3A_977 : memref<32x128xf32, #tpu.memory_space<hbm>>) target(%dma_start3A_975 : memref<32x128xf32, #tpu.memory_space<vmem>>) target_semaphore(%arg18 : memref<!tpu.dma_semaphore, #tpu.memory_space<semaphore_mem>>)
        %dma_start3A_978 = arith.constant 4 : i32
        %dma_start3A_979 = arith.constant 0 : i32
        %dma_start3A_980 = arith.constant 0 : i32
        %dma_start3A_981 = tpu.memref_slice %arg11[%dma_start3A_978, %dma_start3A_979, %dma_start3A_980] : memref<8x32x128xf32, #tpu.memory_space<vmem>> -> memref<1x32x128xf32, #tpu.memory_space<vmem>>
        %dma_start3A_982 = tpu.memref_squeeze %dma_start3A_981 : memref<1x32x128xf32, #tpu.memory_space<vmem>> -> memref<32x128xf32, #tpu.memory_space<vmem>>
        %dma_start3A_983 = arith.constant 0 : i32
        %dma_start3A_984 = tpu.memref_slice %arg5[%dma_start3A_983, %multiple_of3A_964] : memref<32x1000000xf32, #tpu.memory_space<hbm>> -> memref<32x128xf32, #tpu.memory_space<hbm>>
        %dma_start3A_985 = arith.constant 0 : i32
        %dma_start3A_986 = arith.constant 0 : i32
        %dma_start3A_987 = tpu.memref_slice %arg11[%dma_start3A_978, %dma_start3A_985, %dma_start3A_986] : memref<8x32x128xf32, #tpu.memory_space<vmem>> -> memref<1x32x128xf32, #tpu.memory_space<vmem>>
        %dma_start3A_988 = tpu.memref_squeeze %dma_start3A_987 : memref<1x32x128xf32, #tpu.memory_space<vmem>> -> memref<32x128xf32, #tpu.memory_space<vmem>>
        %dma_start3A_989 = arith.constant 0 : i32
        %dma_start3A_990 = tpu.memref_slice %arg5[%dma_start3A_989, %multiple_of3A_964] : memref<32x1000000xf32, #tpu.memory_space<hbm>> -> memref<32x128xf32, #tpu.memory_space<hbm>>
        tpu.enqueue_dma source(%dma_start3A_990 : memref<32x128xf32, #tpu.memory_space<hbm>>) target(%dma_start3A_988 : memref<32x128xf32, #tpu.memory_space<vmem>>) target_semaphore(%arg26 : memref<!tpu.dma_semaphore, #tpu.memory_space<semaphore_mem>>)
      } else {
      }
      %mul3A_709 = arith.constant 8 : i32
      %mul3A_710 = arith.muli %scan3A_297, %mul3A_709 : i32
      %add3A_711 = arith.constant 5 : i32
      %add3A_712 = arith.addi %mul3A_710, %add3A_711 : i32
      %dma_wait3A_713 = arith.constant 5 : i32
      %dma_wait3A_714 = arith.constant 0 : i32
      %dma_wait3A_715 = arith.constant 0 : i32
      %dma_wait3A_716 = tpu.memref_slice %arg10[%dma_wait3A_713, %dma_wait3A_714, %dma_wait3A_715] : memref<8x32x128xf32, #tpu.memory_space<vmem>> -> memref<1x32x128xf32, #tpu.memory_space<vmem>>
      %dma_wait3A_717 = tpu.memref_squeeze %dma_wait3A_716 : memref<1x32x128xf32, #tpu.memory_space<vmem>> -> memref<32x128xf32, #tpu.memory_space<vmem>>
      %dma_wait3A_718 = arith.constant 0 : i32
      %dma_wait3A_719 = arith.constant 0 : i32
      %dma_wait3A_720 = tpu.memref_slice %arg4[%dma_wait3A_718, %dma_wait3A_719] : memref<32x1000000xf32, #tpu.memory_space<hbm>> -> memref<32x128xf32, #tpu.memory_space<hbm>>
      %dma_wait3A_721 = arith.constant 0 : i32
      %dma_wait3A_722 = arith.constant 0 : i32
      %dma_wait3A_723 = tpu.memref_slice %arg10[%dma_wait3A_713, %dma_wait3A_721, %dma_wait3A_722] : memref<8x32x128xf32, #tpu.memory_space<vmem>> -> memref<1x32x128xf32, #tpu.memory_space<vmem>>
      %dma_wait3A_724 = tpu.memref_squeeze %dma_wait3A_723 : memref<1x32x128xf32, #tpu.memory_space<vmem>> -> memref<32x128xf32, #tpu.memory_space<vmem>>
      %dma_wait3A_725 = arith.constant 0 : i32
      %dma_wait3A_726 = arith.constant 0 : i32
      %dma_wait3A_727 = tpu.memref_slice %arg4[%dma_wait3A_725, %dma_wait3A_726] : memref<32x1000000xf32, #tpu.memory_space<hbm>> -> memref<32x128xf32, #tpu.memory_space<hbm>>
      tpu.wait_dma2 semaphore(%arg19 : memref<!tpu.dma_semaphore, #tpu.memory_space<semaphore_mem>>) src(%dma_wait3A_727 : memref<32x128xf32, #tpu.memory_space<hbm>>) dst(%dma_wait3A_724 : memref<32x128xf32, #tpu.memory_space<vmem>>)
      %dma_wait3A_728 = arith.constant 5 : i32
      %dma_wait3A_729 = arith.constant 0 : i32
      %dma_wait3A_730 = arith.constant 0 : i32
      %dma_wait3A_731 = tpu.memref_slice %arg11[%dma_wait3A_728, %dma_wait3A_729, %dma_wait3A_730] : memref<8x32x128xf32, #tpu.memory_space<vmem>> -> memref<1x32x128xf32, #tpu.memory_space<vmem>>
      %dma_wait3A_732 = tpu.memref_squeeze %dma_wait3A_731 : memref<1x32x128xf32, #tpu.memory_space<vmem>> -> memref<32x128xf32, #tpu.memory_space<vmem>>
      %dma_wait3A_733 = arith.constant 0 : i32
      %dma_wait3A_734 = arith.constant 0 : i32
      %dma_wait3A_735 = tpu.memref_slice %arg5[%dma_wait3A_733, %dma_wait3A_734] : memref<32x1000000xf32, #tpu.memory_space<hbm>> -> memref<32x128xf32, #tpu.memory_space<hbm>>
      %dma_wait3A_736 = arith.constant 0 : i32
      %dma_wait3A_737 = arith.constant 0 : i32
      %dma_wait3A_738 = tpu.memref_slice %arg11[%dma_wait3A_728, %dma_wait3A_736, %dma_wait3A_737] : memref<8x32x128xf32, #tpu.memory_space<vmem>> -> memref<1x32x128xf32, #tpu.memory_space<vmem>>
      %dma_wait3A_739 = tpu.memref_squeeze %dma_wait3A_738 : memref<1x32x128xf32, #tpu.memory_space<vmem>> -> memref<32x128xf32, #tpu.memory_space<vmem>>
      %dma_wait3A_740 = arith.constant 0 : i32
      %dma_wait3A_741 = arith.constant 0 : i32
      %dma_wait3A_742 = tpu.memref_slice %arg5[%dma_wait3A_740, %dma_wait3A_741] : memref<32x1000000xf32, #tpu.memory_space<hbm>> -> memref<32x128xf32, #tpu.memory_space<hbm>>
      tpu.wait_dma2 semaphore(%arg27 : memref<!tpu.dma_semaphore, #tpu.memory_space<semaphore_mem>>) src(%dma_wait3A_742 : memref<32x128xf32, #tpu.memory_space<hbm>>) dst(%dma_wait3A_739 : memref<32x128xf32, #tpu.memory_space<vmem>>)
      %slice3A_743 = vector.extract_strided_slice %get3A_301 {offsets = [5], sizes = [1], strides = [1]} : vector<16xi32> to vector<1xi32>
      %squeeze3A_744 = vector.extract %slice3A_743[0] : i32 from vector<1xi32>
      %and3A_745 = arith.constant 127 : i32
      %and3A_746 = arith.andi %squeeze3A_744, %and3A_745 : i32
      %broadcast_in_dim3A_747 = vector.broadcast %and3A_746 : i32 to vector<16xi32>
      %gather3A_748 = arith.constant 5 : i32
      %gather3A_749 = arith.constant 0 : i32
      %gather3A_750 = arith.constant 0 : i32
      %gather3A_751 = tpu.memref_slice %arg10[%gather3A_748, %gather3A_749, %gather3A_750] : memref<8x32x128xf32, #tpu.memory_space<vmem>> -> memref<1x32x128xf32, #tpu.memory_space<vmem>>
      %gather3A_752 = tpu.memref_squeeze %gather3A_751 : memref<1x32x128xf32, #tpu.memory_space<vmem>> -> memref<32x128xf32, #tpu.memory_space<vmem>>
      %gather3A_753 = tpu.vector_load_idx %gather3A_752[%iota3A, %broadcast_in_dim3A_747] : memref<32x128xf32, #tpu.memory_space<vmem>>[vector<16xi32>, vector<16xi32>], vector<16xf32>,
      %gather3A_754 = arith.constant 5 : i32
      %gather3A_755 = arith.constant 0 : i32
      %gather3A_756 = arith.constant 0 : i32
      %gather3A_757 = tpu.memref_slice %arg10[%gather3A_754, %gather3A_755, %gather3A_756] : memref<8x32x128xf32, #tpu.memory_space<vmem>> -> memref<1x32x128xf32, #tpu.memory_space<vmem>>
      %gather3A_758 = tpu.memref_squeeze %gather3A_757 : memref<1x32x128xf32, #tpu.memory_space<vmem>> -> memref<32x128xf32, #tpu.memory_space<vmem>>
      %gather3A_759 = tpu.vector_load_idx %gather3A_758[%add3A_5, %broadcast_in_dim3A_747] : memref<32x128xf32, #tpu.memory_space<vmem>>[vector<16xi32>, vector<16xi32>], vector<16xf32>,
      %swap3A_760 = arith.index_cast %add3A_712 : i32 to index
      %swap3A_761 = arith.constant 0 : index
      %swap3A_762 = tpu.vector_load %arg12[%swap3A_760, %swap3A_761] {strides = array<i32>} : memref<128x32xf32, #tpu.memory_space<vmem>>, vector<16xf32>,
      tpu.vector_store %arg12[%swap3A_760, %swap3A_761], %gather3A_753 {strides = array<i32>} : memref<128x32xf32, #tpu.memory_space<vmem>>, vector<16xf32>,
      %swap3A_763 = arith.index_cast %add3A_712 : i32 to index
      %swap3A_764 = arith.constant 16 : index
      %swap3A_765 = tpu.vector_load %arg12[%swap3A_763, %swap3A_764] {strides = array<i32>} : memref<128x32xf32, #tpu.memory_space<vmem>>, vector<16xf32>,
      tpu.vector_store %arg12[%swap3A_763, %swap3A_764], %gather3A_759 {strides = array<i32>} : memref<128x32xf32, #tpu.memory_space<vmem>>, vector<16xf32>,
      %slice3A_766 = vector.extract_strided_slice %get3A_305 {offsets = [5], sizes = [1], strides = [1]} : vector<16xi32> to vector<1xi32>
      %squeeze3A_767 = vector.extract %slice3A_766[0] : i32 from vector<1xi32>
      %and3A_768 = arith.constant 127 : i32
      %and3A_769 = arith.andi %squeeze3A_767, %and3A_768 : i32
      %broadcast_in_dim3A_770 = vector.broadcast %and3A_769 : i32 to vector<16xi32>
      %broadcast_in_dim3A_771 = vector.broadcast %add3A_712 : i32 to vector<16xi32>
      %gather3A_772 = arith.constant 5 : i32
      %gather3A_773 = arith.constant 0 : i32
      %gather3A_774 = arith.constant 0 : i32
      %gather3A_775 = tpu.memref_slice %arg11[%gather3A_772, %gather3A_773, %gather3A_774] : memref<8x32x128xf32, #tpu.memory_space<vmem>> -> memref<1x32x128xf32, #tpu.memory_space<vmem>>
      %gather3A_776 = tpu.memref_squeeze %gather3A_775 : memref<1x32x128xf32, #tpu.memory_space<vmem>> -> memref<32x128xf32, #tpu.memory_space<vmem>>
      %gather3A_777 = tpu.vector_load_idx %gather3A_776[%iota3A, %broadcast_in_dim3A_770] : memref<32x128xf32, #tpu.memory_space<vmem>>[vector<16xi32>, vector<16xi32>], vector<16xf32>,
      %gather3A_778 = arith.constant 5 : i32
      %gather3A_779 = arith.constant 0 : i32
      %gather3A_780 = arith.constant 0 : i32
      %gather3A_781 = tpu.memref_slice %arg11[%gather3A_778, %gather3A_779, %gather3A_780] : memref<8x32x128xf32, #tpu.memory_space<vmem>> -> memref<1x32x128xf32, #tpu.memory_space<vmem>>
      %gather3A_782 = tpu.memref_squeeze %gather3A_781 : memref<1x32x128xf32, #tpu.memory_space<vmem>> -> memref<32x128xf32, #tpu.memory_space<vmem>>
      %gather3A_783 = tpu.vector_load_idx %gather3A_782[%add3A_5, %broadcast_in_dim3A_770] : memref<32x128xf32, #tpu.memory_space<vmem>>[vector<16xi32>, vector<16xi32>], vector<16xf32>,
      tpu.vector_store_idx %arg13[%iota3A, %broadcast_in_dim3A_771], %gather3A_777 : memref<32x128xf32, #tpu.memory_space<vmem>>[vector<16xi32>, vector<16xi32>], vector<16xf32>,
      tpu.vector_store_idx %arg13[%add3A_5, %broadcast_in_dim3A_771], %gather3A_783 : memref<32x128xf32, #tpu.memory_space<vmem>>[vector<16xi32>, vector<16xi32>], vector<16xf32>,
      %add3A_784 = arith.constant 8 : i32
      %add3A_785 = arith.addi %add3A_712, %add3A_784 : i32
      %lt3A_786 = arith.constant 128 : i32
      %lt3A_787 = arith.cmpi slt, %add3A_785, %lt3A_786 : i32
      %convert_element_type3A_788 = arith.extui %lt3A_787 : i1 to i32
      %cond3A_789 = arith.constant 0 : i32
      %cond3A_790 = arith.cmpi ne, %convert_element_type3A_788, %cond3A_789 : i32
      scf.if %cond3A_790 {
        %slice3A_955 = vector.extract_strided_slice %get3A_301 {offsets = [13], sizes = [1], strides = [1]} : vector<16xi32> to vector<1xi32>
        %squeeze3A_956 = vector.extract %slice3A_955[0] : i32 from vector<1xi32>
        %slice3A_957 = vector.extract_strided_slice %get3A_305 {offsets = [13], sizes = [1], strides = [1]} : vector<16xi32> to vector<1xi32>
        %squeeze3A_958 = vector.extract %slice3A_957[0] : i32 from vector<1xi32>
        %and3A_959 = arith.constant -128 : i32
        %and3A_960 = arith.andi %squeeze3A_956, %and3A_959 : i32
        %multiple_of3A_961 = tpu.assume_multiple %and3A_960, 128 : i32
        %and3A_962 = arith.constant -128 : i32
        %and3A_963 = arith.andi %squeeze3A_958, %and3A_962 : i32
        %multiple_of3A_964 = tpu.assume_multiple %and3A_963, 128 : i32
        %dma_start3A_965 = arith.constant 5 : i32
        %dma_start3A_966 = arith.constant 0 : i32
        %dma_start3A_967 = arith.constant 0 : i32
        %dma_start3A_968 = tpu.memref_slice %arg10[%dma_start3A_965, %dma_start3A_966, %dma_start3A_967] : memref<8x32x128xf32, #tpu.memory_space<vmem>> -> memref<1x32x128xf32, #tpu.memory_space<vmem>>
        %dma_start3A_969 = tpu.memref_squeeze %dma_start3A_968 : memref<1x32x128xf32, #tpu.memory_space<vmem>> -> memref<32x128xf32, #tpu.memory_space<vmem>>
        %dma_start3A_970 = arith.constant 0 : i32
        %dma_start3A_971 = tpu.memref_slice %arg4[%dma_start3A_970, %multiple_of3A_961] : memref<32x1000000xf32, #tpu.memory_space<hbm>> -> memref<32x128xf32, #tpu.memory_space<hbm>>
        %dma_start3A_972 = arith.constant 0 : i32
        %dma_start3A_973 = arith.constant 0 : i32
        %dma_start3A_974 = tpu.memref_slice %arg10[%dma_start3A_965, %dma_start3A_972, %dma_start3A_973] : memref<8x32x128xf32, #tpu.memory_space<vmem>> -> memref<1x32x128xf32, #tpu.memory_space<vmem>>
        %dma_start3A_975 = tpu.memref_squeeze %dma_start3A_974 : memref<1x32x128xf32, #tpu.memory_space<vmem>> -> memref<32x128xf32, #tpu.memory_space<vmem>>
        %dma_start3A_976 = arith.constant 0 : i32
        %dma_start3A_977 = tpu.memref_slice %arg4[%dma_start3A_976, %multiple_of3A_961] : memref<32x1000000xf32, #tpu.memory_space<hbm>> -> memref<32x128xf32, #tpu.memory_space<hbm>>
        tpu.enqueue_dma source(%dma_start3A_977 : memref<32x128xf32, #tpu.memory_space<hbm>>) target(%dma_start3A_975 : memref<32x128xf32, #tpu.memory_space<vmem>>) target_semaphore(%arg19 : memref<!tpu.dma_semaphore, #tpu.memory_space<semaphore_mem>>)
        %dma_start3A_978 = arith.constant 5 : i32
        %dma_start3A_979 = arith.constant 0 : i32
        %dma_start3A_980 = arith.constant 0 : i32
        %dma_start3A_981 = tpu.memref_slice %arg11[%dma_start3A_978, %dma_start3A_979, %dma_start3A_980] : memref<8x32x128xf32, #tpu.memory_space<vmem>> -> memref<1x32x128xf32, #tpu.memory_space<vmem>>
        %dma_start3A_982 = tpu.memref_squeeze %dma_start3A_981 : memref<1x32x128xf32, #tpu.memory_space<vmem>> -> memref<32x128xf32, #tpu.memory_space<vmem>>
        %dma_start3A_983 = arith.constant 0 : i32
        %dma_start3A_984 = tpu.memref_slice %arg5[%dma_start3A_983, %multiple_of3A_964] : memref<32x1000000xf32, #tpu.memory_space<hbm>> -> memref<32x128xf32, #tpu.memory_space<hbm>>
        %dma_start3A_985 = arith.constant 0 : i32
        %dma_start3A_986 = arith.constant 0 : i32
        %dma_start3A_987 = tpu.memref_slice %arg11[%dma_start3A_978, %dma_start3A_985, %dma_start3A_986] : memref<8x32x128xf32, #tpu.memory_space<vmem>> -> memref<1x32x128xf32, #tpu.memory_space<vmem>>
        %dma_start3A_988 = tpu.memref_squeeze %dma_start3A_987 : memref<1x32x128xf32, #tpu.memory_space<vmem>> -> memref<32x128xf32, #tpu.memory_space<vmem>>
        %dma_start3A_989 = arith.constant 0 : i32
        %dma_start3A_990 = tpu.memref_slice %arg5[%dma_start3A_989, %multiple_of3A_964] : memref<32x1000000xf32, #tpu.memory_space<hbm>> -> memref<32x128xf32, #tpu.memory_space<hbm>>
        tpu.enqueue_dma source(%dma_start3A_990 : memref<32x128xf32, #tpu.memory_space<hbm>>) target(%dma_start3A_988 : memref<32x128xf32, #tpu.memory_space<vmem>>) target_semaphore(%arg27 : memref<!tpu.dma_semaphore, #tpu.memory_space<semaphore_mem>>)
      } else {
      }
      %mul3A_791 = arith.constant 8 : i32
      %mul3A_792 = arith.muli %scan3A_297, %mul3A_791 : i32
      %add3A_793 = arith.constant 6 : i32
      %add3A_794 = arith.addi %mul3A_792, %add3A_793 : i32
      %dma_wait3A_795 = arith.constant 6 : i32
      %dma_wait3A_796 = arith.constant 0 : i32
      %dma_wait3A_797 = arith.constant 0 : i32
      %dma_wait3A_798 = tpu.memref_slice %arg10[%dma_wait3A_795, %dma_wait3A_796, %dma_wait3A_797] : memref<8x32x128xf32, #tpu.memory_space<vmem>> -> memref<1x32x128xf32, #tpu.memory_space<vmem>>
      %dma_wait3A_799 = tpu.memref_squeeze %dma_wait3A_798 : memref<1x32x128xf32, #tpu.memory_space<vmem>> -> memref<32x128xf32, #tpu.memory_space<vmem>>
      %dma_wait3A_800 = arith.constant 0 : i32
      %dma_wait3A_801 = arith.constant 0 : i32
      %dma_wait3A_802 = tpu.memref_slice %arg4[%dma_wait3A_800, %dma_wait3A_801] : memref<32x1000000xf32, #tpu.memory_space<hbm>> -> memref<32x128xf32, #tpu.memory_space<hbm>>
      %dma_wait3A_803 = arith.constant 0 : i32
      %dma_wait3A_804 = arith.constant 0 : i32
      %dma_wait3A_805 = tpu.memref_slice %arg10[%dma_wait3A_795, %dma_wait3A_803, %dma_wait3A_804] : memref<8x32x128xf32, #tpu.memory_space<vmem>> -> memref<1x32x128xf32, #tpu.memory_space<vmem>>
      %dma_wait3A_806 = tpu.memref_squeeze %dma_wait3A_805 : memref<1x32x128xf32, #tpu.memory_space<vmem>> -> memref<32x128xf32, #tpu.memory_space<vmem>>
      %dma_wait3A_807 = arith.constant 0 : i32
      %dma_wait3A_808 = arith.constant 0 : i32
      %dma_wait3A_809 = tpu.memref_slice %arg4[%dma_wait3A_807, %dma_wait3A_808] : memref<32x1000000xf32, #tpu.memory_space<hbm>> -> memref<32x128xf32, #tpu.memory_space<hbm>>
      tpu.wait_dma2 semaphore(%arg20 : memref<!tpu.dma_semaphore, #tpu.memory_space<semaphore_mem>>) src(%dma_wait3A_809 : memref<32x128xf32, #tpu.memory_space<hbm>>) dst(%dma_wait3A_806 : memref<32x128xf32, #tpu.memory_space<vmem>>)
      %dma_wait3A_810 = arith.constant 6 : i32
      %dma_wait3A_811 = arith.constant 0 : i32
      %dma_wait3A_812 = arith.constant 0 : i32
      %dma_wait3A_813 = tpu.memref_slice %arg11[%dma_wait3A_810, %dma_wait3A_811, %dma_wait3A_812] : memref<8x32x128xf32, #tpu.memory_space<vmem>> -> memref<1x32x128xf32, #tpu.memory_space<vmem>>
      %dma_wait3A_814 = tpu.memref_squeeze %dma_wait3A_813 : memref<1x32x128xf32, #tpu.memory_space<vmem>> -> memref<32x128xf32, #tpu.memory_space<vmem>>
      %dma_wait3A_815 = arith.constant 0 : i32
      %dma_wait3A_816 = arith.constant 0 : i32
      %dma_wait3A_817 = tpu.memref_slice %arg5[%dma_wait3A_815, %dma_wait3A_816] : memref<32x1000000xf32, #tpu.memory_space<hbm>> -> memref<32x128xf32, #tpu.memory_space<hbm>>
      %dma_wait3A_818 = arith.constant 0 : i32
      %dma_wait3A_819 = arith.constant 0 : i32
      %dma_wait3A_820 = tpu.memref_slice %arg11[%dma_wait3A_810, %dma_wait3A_818, %dma_wait3A_819] : memref<8x32x128xf32, #tpu.memory_space<vmem>> -> memref<1x32x128xf32, #tpu.memory_space<vmem>>
      %dma_wait3A_821 = tpu.memref_squeeze %dma_wait3A_820 : memref<1x32x128xf32, #tpu.memory_space<vmem>> -> memref<32x128xf32, #tpu.memory_space<vmem>>
      %dma_wait3A_822 = arith.constant 0 : i32
      %dma_wait3A_823 = arith.constant 0 : i32
      %dma_wait3A_824 = tpu.memref_slice %arg5[%dma_wait3A_822, %dma_wait3A_823] : memref<32x1000000xf32, #tpu.memory_space<hbm>> -> memref<32x128xf32, #tpu.memory_space<hbm>>
      tpu.wait_dma2 semaphore(%arg28 : memref<!tpu.dma_semaphore, #tpu.memory_space<semaphore_mem>>) src(%dma_wait3A_824 : memref<32x128xf32, #tpu.memory_space<hbm>>) dst(%dma_wait3A_821 : memref<32x128xf32, #tpu.memory_space<vmem>>)
      %slice3A_825 = vector.extract_strided_slice %get3A_301 {offsets = [6], sizes = [1], strides = [1]} : vector<16xi32> to vector<1xi32>
      %squeeze3A_826 = vector.extract %slice3A_825[0] : i32 from vector<1xi32>
      %and3A_827 = arith.constant 127 : i32
      %and3A_828 = arith.andi %squeeze3A_826, %and3A_827 : i32
      %broadcast_in_dim3A_829 = vector.broadcast %and3A_828 : i32 to vector<16xi32>
      %gather3A_830 = arith.constant 6 : i32
      %gather3A_831 = arith.constant 0 : i32
      %gather3A_832 = arith.constant 0 : i32
      %gather3A_833 = tpu.memref_slice %arg10[%gather3A_830, %gather3A_831, %gather3A_832] : memref<8x32x128xf32, #tpu.memory_space<vmem>> -> memref<1x32x128xf32, #tpu.memory_space<vmem>>
      %gather3A_834 = tpu.memref_squeeze %gather3A_833 : memref<1x32x128xf32, #tpu.memory_space<vmem>> -> memref<32x128xf32, #tpu.memory_space<vmem>>
      %gather3A_835 = tpu.vector_load_idx %gather3A_834[%iota3A, %broadcast_in_dim3A_829] : memref<32x128xf32, #tpu.memory_space<vmem>>[vector<16xi32>, vector<16xi32>], vector<16xf32>,
      %gather3A_836 = arith.constant 6 : i32
      %gather3A_837 = arith.constant 0 : i32
      %gather3A_838 = arith.constant 0 : i32
      %gather3A_839 = tpu.memref_slice %arg10[%gather3A_836, %gather3A_837, %gather3A_838] : memref<8x32x128xf32, #tpu.memory_space<vmem>> -> memref<1x32x128xf32, #tpu.memory_space<vmem>>
      %gather3A_840 = tpu.memref_squeeze %gather3A_839 : memref<1x32x128xf32, #tpu.memory_space<vmem>> -> memref<32x128xf32, #tpu.memory_space<vmem>>
      %gather3A_841 = tpu.vector_load_idx %gather3A_840[%add3A_5, %broadcast_in_dim3A_829] : memref<32x128xf32, #tpu.memory_space<vmem>>[vector<16xi32>, vector<16xi32>], vector<16xf32>,
      %swap3A_842 = arith.index_cast %add3A_794 : i32 to index
      %swap3A_843 = arith.constant 0 : index
      %swap3A_844 = tpu.vector_load %arg12[%swap3A_842, %swap3A_843] {strides = array<i32>} : memref<128x32xf32, #tpu.memory_space<vmem>>, vector<16xf32>,
      tpu.vector_store %arg12[%swap3A_842, %swap3A_843], %gather3A_835 {strides = array<i32>} : memref<128x32xf32, #tpu.memory_space<vmem>>, vector<16xf32>,
      %swap3A_845 = arith.index_cast %add3A_794 : i32 to index
      %swap3A_846 = arith.constant 16 : index
      %swap3A_847 = tpu.vector_load %arg12[%swap3A_845, %swap3A_846] {strides = array<i32>} : memref<128x32xf32, #tpu.memory_space<vmem>>, vector<16xf32>,
      tpu.vector_store %arg12[%swap3A_845, %swap3A_846], %gather3A_841 {strides = array<i32>} : memref<128x32xf32, #tpu.memory_space<vmem>>, vector<16xf32>,
      %slice3A_848 = vector.extract_strided_slice %get3A_305 {offsets = [6], sizes = [1], strides = [1]} : vector<16xi32> to vector<1xi32>
      %squeeze3A_849 = vector.extract %slice3A_848[0] : i32 from vector<1xi32>
      %and3A_850 = arith.constant 127 : i32
      %and3A_851 = arith.andi %squeeze3A_849, %and3A_850 : i32
      %broadcast_in_dim3A_852 = vector.broadcast %and3A_851 : i32 to vector<16xi32>
      %broadcast_in_dim3A_853 = vector.broadcast %add3A_794 : i32 to vector<16xi32>
      %gather3A_854 = arith.constant 6 : i32
      %gather3A_855 = arith.constant 0 : i32
      %gather3A_856 = arith.constant 0 : i32
      %gather3A_857 = tpu.memref_slice %arg11[%gather3A_854, %gather3A_855, %gather3A_856] : memref<8x32x128xf32, #tpu.memory_space<vmem>> -> memref<1x32x128xf32, #tpu.memory_space<vmem>>
      %gather3A_858 = tpu.memref_squeeze %gather3A_857 : memref<1x32x128xf32, #tpu.memory_space<vmem>> -> memref<32x128xf32, #tpu.memory_space<vmem>>
      %gather3A_859 = tpu.vector_load_idx %gather3A_858[%iota3A, %broadcast_in_dim3A_852] : memref<32x128xf32, #tpu.memory_space<vmem>>[vector<16xi32>, vector<16xi32>], vector<16xf32>,
      %gather3A_860 = arith.constant 6 : i32
      %gather3A_861 = arith.constant 0 : i32
      %gather3A_862 = arith.constant 0 : i32
      %gather3A_863 = tpu.memref_slice %arg11[%gather3A_860, %gather3A_861, %gather3A_862] : memref<8x32x128xf32, #tpu.memory_space<vmem>> -> memref<1x32x128xf32, #tpu.memory_space<vmem>>
      %gather3A_864 = tpu.memref_squeeze %gather3A_863 : memref<1x32x128xf32, #tpu.memory_space<vmem>> -> memref<32x128xf32, #tpu.memory_space<vmem>>
      %gather3A_865 = tpu.vector_load_idx %gather3A_864[%add3A_5, %broadcast_in_dim3A_852] : memref<32x128xf32, #tpu.memory_space<vmem>>[vector<16xi32>, vector<16xi32>], vector<16xf32>,
      tpu.vector_store_idx %arg13[%iota3A, %broadcast_in_dim3A_853], %gather3A_859 : memref<32x128xf32, #tpu.memory_space<vmem>>[vector<16xi32>, vector<16xi32>], vector<16xf32>,
      tpu.vector_store_idx %arg13[%add3A_5, %broadcast_in_dim3A_853], %gather3A_865 : memref<32x128xf32, #tpu.memory_space<vmem>>[vector<16xi32>, vector<16xi32>], vector<16xf32>,
      %add3A_866 = arith.constant 8 : i32
      %add3A_867 = arith.addi %add3A_794, %add3A_866 : i32
      %lt3A_868 = arith.constant 128 : i32
      %lt3A_869 = arith.cmpi slt, %add3A_867, %lt3A_868 : i32
      %convert_element_type3A_870 = arith.extui %lt3A_869 : i1 to i32
      %cond3A_871 = arith.constant 0 : i32
      %cond3A_872 = arith.cmpi ne, %convert_element_type3A_870, %cond3A_871 : i32
      scf.if %cond3A_872 {
        %slice3A_955 = vector.extract_strided_slice %get3A_301 {offsets = [14], sizes = [1], strides = [1]} : vector<16xi32> to vector<1xi32>
        %squeeze3A_956 = vector.extract %slice3A_955[0] : i32 from vector<1xi32>
        %slice3A_957 = vector.extract_strided_slice %get3A_305 {offsets = [14], sizes = [1], strides = [1]} : vector<16xi32> to vector<1xi32>
        %squeeze3A_958 = vector.extract %slice3A_957[0] : i32 from vector<1xi32>
        %and3A_959 = arith.constant -128 : i32
        %and3A_960 = arith.andi %squeeze3A_956, %and3A_959 : i32
        %multiple_of3A_961 = tpu.assume_multiple %and3A_960, 128 : i32
        %and3A_962 = arith.constant -128 : i32
        %and3A_963 = arith.andi %squeeze3A_958, %and3A_962 : i32
        %multiple_of3A_964 = tpu.assume_multiple %and3A_963, 128 : i32
        %dma_start3A_965 = arith.constant 6 : i32
        %dma_start3A_966 = arith.constant 0 : i32
        %dma_start3A_967 = arith.constant 0 : i32
        %dma_start3A_968 = tpu.memref_slice %arg10[%dma_start3A_965, %dma_start3A_966, %dma_start3A_967] : memref<8x32x128xf32, #tpu.memory_space<vmem>> -> memref<1x32x128xf32, #tpu.memory_space<vmem>>
        %dma_start3A_969 = tpu.memref_squeeze %dma_start3A_968 : memref<1x32x128xf32, #tpu.memory_space<vmem>> -> memref<32x128xf32, #tpu.memory_space<vmem>>
        %dma_start3A_970 = arith.constant 0 : i32
        %dma_start3A_971 = tpu.memref_slice %arg4[%dma_start3A_970, %multiple_of3A_961] : memref<32x1000000xf32, #tpu.memory_space<hbm>> -> memref<32x128xf32, #tpu.memory_space<hbm>>
        %dma_start3A_972 = arith.constant 0 : i32
        %dma_start3A_973 = arith.constant 0 : i32
        %dma_start3A_974 = tpu.memref_slice %arg10[%dma_start3A_965, %dma_start3A_972, %dma_start3A_973] : memref<8x32x128xf32, #tpu.memory_space<vmem>> -> memref<1x32x128xf32, #tpu.memory_space<vmem>>
        %dma_start3A_975 = tpu.memref_squeeze %dma_start3A_974 : memref<1x32x128xf32, #tpu.memory_space<vmem>> -> memref<32x128xf32, #tpu.memory_space<vmem>>
        %dma_start3A_976 = arith.constant 0 : i32
        %dma_start3A_977 = tpu.memref_slice %arg4[%dma_start3A_976, %multiple_of3A_961] : memref<32x1000000xf32, #tpu.memory_space<hbm>> -> memref<32x128xf32, #tpu.memory_space<hbm>>
        tpu.enqueue_dma source(%dma_start3A_977 : memref<32x128xf32, #tpu.memory_space<hbm>>) target(%dma_start3A_975 : memref<32x128xf32, #tpu.memory_space<vmem>>) target_semaphore(%arg20 : memref<!tpu.dma_semaphore, #tpu.memory_space<semaphore_mem>>)
        %dma_start3A_978 = arith.constant 6 : i32
        %dma_start3A_979 = arith.constant 0 : i32
        %dma_start3A_980 = arith.constant 0 : i32
        %dma_start3A_981 = tpu.memref_slice %arg11[%dma_start3A_978, %dma_start3A_979, %dma_start3A_980] : memref<8x32x128xf32, #tpu.memory_space<vmem>> -> memref<1x32x128xf32, #tpu.memory_space<vmem>>
        %dma_start3A_982 = tpu.memref_squeeze %dma_start3A_981 : memref<1x32x128xf32, #tpu.memory_space<vmem>> -> memref<32x128xf32, #tpu.memory_space<vmem>>
        %dma_start3A_983 = arith.constant 0 : i32
        %dma_start3A_984 = tpu.memref_slice %arg5[%dma_start3A_983, %multiple_of3A_964] : memref<32x1000000xf32, #tpu.memory_space<hbm>> -> memref<32x128xf32, #tpu.memory_space<hbm>>
        %dma_start3A_985 = arith.constant 0 : i32
        %dma_start3A_986 = arith.constant 0 : i32
        %dma_start3A_987 = tpu.memref_slice %arg11[%dma_start3A_978, %dma_start3A_985, %dma_start3A_986] : memref<8x32x128xf32, #tpu.memory_space<vmem>> -> memref<1x32x128xf32, #tpu.memory_space<vmem>>
        %dma_start3A_988 = tpu.memref_squeeze %dma_start3A_987 : memref<1x32x128xf32, #tpu.memory_space<vmem>> -> memref<32x128xf32, #tpu.memory_space<vmem>>
        %dma_start3A_989 = arith.constant 0 : i32
        %dma_start3A_990 = tpu.memref_slice %arg5[%dma_start3A_989, %multiple_of3A_964] : memref<32x1000000xf32, #tpu.memory_space<hbm>> -> memref<32x128xf32, #tpu.memory_space<hbm>>
        tpu.enqueue_dma source(%dma_start3A_990 : memref<32x128xf32, #tpu.memory_space<hbm>>) target(%dma_start3A_988 : memref<32x128xf32, #tpu.memory_space<vmem>>) target_semaphore(%arg28 : memref<!tpu.dma_semaphore, #tpu.memory_space<semaphore_mem>>)
      } else {
      }
      %mul3A_873 = arith.constant 8 : i32
      %mul3A_874 = arith.muli %scan3A_297, %mul3A_873 : i32
      %add3A_875 = arith.constant 7 : i32
      %add3A_876 = arith.addi %mul3A_874, %add3A_875 : i32
      %dma_wait3A_877 = arith.constant 7 : i32
      %dma_wait3A_878 = arith.constant 0 : i32
      %dma_wait3A_879 = arith.constant 0 : i32
      %dma_wait3A_880 = tpu.memref_slice %arg10[%dma_wait3A_877, %dma_wait3A_878, %dma_wait3A_879] : memref<8x32x128xf32, #tpu.memory_space<vmem>> -> memref<1x32x128xf32, #tpu.memory_space<vmem>>
      %dma_wait3A_881 = tpu.memref_squeeze %dma_wait3A_880 : memref<1x32x128xf32, #tpu.memory_space<vmem>> -> memref<32x128xf32, #tpu.memory_space<vmem>>
      %dma_wait3A_882 = arith.constant 0 : i32
      %dma_wait3A_883 = arith.constant 0 : i32
      %dma_wait3A_884 = tpu.memref_slice %arg4[%dma_wait3A_882, %dma_wait3A_883] : memref<32x1000000xf32, #tpu.memory_space<hbm>> -> memref<32x128xf32, #tpu.memory_space<hbm>>
      %dma_wait3A_885 = arith.constant 0 : i32
      %dma_wait3A_886 = arith.constant 0 : i32
      %dma_wait3A_887 = tpu.memref_slice %arg10[%dma_wait3A_877, %dma_wait3A_885, %dma_wait3A_886] : memref<8x32x128xf32, #tpu.memory_space<vmem>> -> memref<1x32x128xf32, #tpu.memory_space<vmem>>
      %dma_wait3A_888 = tpu.memref_squeeze %dma_wait3A_887 : memref<1x32x128xf32, #tpu.memory_space<vmem>> -> memref<32x128xf32, #tpu.memory_space<vmem>>
      %dma_wait3A_889 = arith.constant 0 : i32
      %dma_wait3A_890 = arith.constant 0 : i32
      %dma_wait3A_891 = tpu.memref_slice %arg4[%dma_wait3A_889, %dma_wait3A_890] : memref<32x1000000xf32, #tpu.memory_space<hbm>> -> memref<32x128xf32, #tpu.memory_space<hbm>>
      tpu.wait_dma2 semaphore(%arg21 : memref<!tpu.dma_semaphore, #tpu.memory_space<semaphore_mem>>) src(%dma_wait3A_891 : memref<32x128xf32, #tpu.memory_space<hbm>>) dst(%dma_wait3A_888 : memref<32x128xf32, #tpu.memory_space<vmem>>)
      %dma_wait3A_892 = arith.constant 7 : i32
      %dma_wait3A_893 = arith.constant 0 : i32
      %dma_wait3A_894 = arith.constant 0 : i32
      %dma_wait3A_895 = tpu.memref_slice %arg11[%dma_wait3A_892, %dma_wait3A_893, %dma_wait3A_894] : memref<8x32x128xf32, #tpu.memory_space<vmem>> -> memref<1x32x128xf32, #tpu.memory_space<vmem>>
      %dma_wait3A_896 = tpu.memref_squeeze %dma_wait3A_895 : memref<1x32x128xf32, #tpu.memory_space<vmem>> -> memref<32x128xf32, #tpu.memory_space<vmem>>
      %dma_wait3A_897 = arith.constant 0 : i32
      %dma_wait3A_898 = arith.constant 0 : i32
      %dma_wait3A_899 = tpu.memref_slice %arg5[%dma_wait3A_897, %dma_wait3A_898] : memref<32x1000000xf32, #tpu.memory_space<hbm>> -> memref<32x128xf32, #tpu.memory_space<hbm>>
      %dma_wait3A_900 = arith.constant 0 : i32
      %dma_wait3A_901 = arith.constant 0 : i32
      %dma_wait3A_902 = tpu.memref_slice %arg11[%dma_wait3A_892, %dma_wait3A_900, %dma_wait3A_901] : memref<8x32x128xf32, #tpu.memory_space<vmem>> -> memref<1x32x128xf32, #tpu.memory_space<vmem>>
      %dma_wait3A_903 = tpu.memref_squeeze %dma_wait3A_902 : memref<1x32x128xf32, #tpu.memory_space<vmem>> -> memref<32x128xf32, #tpu.memory_space<vmem>>
      %dma_wait3A_904 = arith.constant 0 : i32
      %dma_wait3A_905 = arith.constant 0 : i32
      %dma_wait3A_906 = tpu.memref_slice %arg5[%dma_wait3A_904, %dma_wait3A_905] : memref<32x1000000xf32, #tpu.memory_space<hbm>> -> memref<32x128xf32, #tpu.memory_space<hbm>>
      tpu.wait_dma2 semaphore(%arg29 : memref<!tpu.dma_semaphore, #tpu.memory_space<semaphore_mem>>) src(%dma_wait3A_906 : memref<32x128xf32, #tpu.memory_space<hbm>>) dst(%dma_wait3A_903 : memref<32x128xf32, #tpu.memory_space<vmem>>)
      %slice3A_907 = vector.extract_strided_slice %get3A_301 {offsets = [7], sizes = [1], strides = [1]} : vector<16xi32> to vector<1xi32>
      %squeeze3A_908 = vector.extract %slice3A_907[0] : i32 from vector<1xi32>
      %and3A_909 = arith.constant 127 : i32
      %and3A_910 = arith.andi %squeeze3A_908, %and3A_909 : i32
      %broadcast_in_dim3A_911 = vector.broadcast %and3A_910 : i32 to vector<16xi32>
      %gather3A_912 = arith.constant 7 : i32
      %gather3A_913 = arith.constant 0 : i32
      %gather3A_914 = arith.constant 0 : i32
      %gather3A_915 = tpu.memref_slice %arg10[%gather3A_912, %gather3A_913, %gather3A_914] : memref<8x32x128xf32, #tpu.memory_space<vmem>> -> memref<1x32x128xf32, #tpu.memory_space<vmem>>
      %gather3A_916 = tpu.memref_squeeze %gather3A_915 : memref<1x32x128xf32, #tpu.memory_space<vmem>> -> memref<32x128xf32, #tpu.memory_space<vmem>>
      %gather3A_917 = tpu.vector_load_idx %gather3A_916[%iota3A, %broadcast_in_dim3A_911] : memref<32x128xf32, #tpu.memory_space<vmem>>[vector<16xi32>, vector<16xi32>], vector<16xf32>,
      %gather3A_918 = arith.constant 7 : i32
      %gather3A_919 = arith.constant 0 : i32
      %gather3A_920 = arith.constant 0 : i32
      %gather3A_921 = tpu.memref_slice %arg10[%gather3A_918, %gather3A_919, %gather3A_920] : memref<8x32x128xf32, #tpu.memory_space<vmem>> -> memref<1x32x128xf32, #tpu.memory_space<vmem>>
      %gather3A_922 = tpu.memref_squeeze %gather3A_921 : memref<1x32x128xf32, #tpu.memory_space<vmem>> -> memref<32x128xf32, #tpu.memory_space<vmem>>
      %gather3A_923 = tpu.vector_load_idx %gather3A_922[%add3A_5, %broadcast_in_dim3A_911] : memref<32x128xf32, #tpu.memory_space<vmem>>[vector<16xi32>, vector<16xi32>], vector<16xf32>,
      %swap3A_924 = arith.index_cast %add3A_876 : i32 to index
      %swap3A_925 = arith.constant 0 : index
      %swap3A_926 = tpu.vector_load %arg12[%swap3A_924, %swap3A_925] {strides = array<i32>} : memref<128x32xf32, #tpu.memory_space<vmem>>, vector<16xf32>,
      tpu.vector_store %arg12[%swap3A_924, %swap3A_925], %gather3A_917 {strides = array<i32>} : memref<128x32xf32, #tpu.memory_space<vmem>>, vector<16xf32>,
      %swap3A_927 = arith.index_cast %add3A_876 : i32 to index
      %swap3A_928 = arith.constant 16 : index
      %swap3A_929 = tpu.vector_load %arg12[%swap3A_927, %swap3A_928] {strides = array<i32>} : memref<128x32xf32, #tpu.memory_space<vmem>>, vector<16xf32>,
      tpu.vector_store %arg12[%swap3A_927, %swap3A_928], %gather3A_923 {strides = array<i32>} : memref<128x32xf32, #tpu.memory_space<vmem>>, vector<16xf32>,
      %slice3A_930 = vector.extract_strided_slice %get3A_305 {offsets = [7], sizes = [1], strides = [1]} : vector<16xi32> to vector<1xi32>
      %squeeze3A_931 = vector.extract %slice3A_930[0] : i32 from vector<1xi32>
      %and3A_932 = arith.constant 127 : i32
      %and3A_933 = arith.andi %squeeze3A_931, %and3A_932 : i32
      %broadcast_in_dim3A_934 = vector.broadcast %and3A_933 : i32 to vector<16xi32>
      %broadcast_in_dim3A_935 = vector.broadcast %add3A_876 : i32 to vector<16xi32>
      %gather3A_936 = arith.constant 7 : i32
      %gather3A_937 = arith.constant 0 : i32
      %gather3A_938 = arith.constant 0 : i32
      %gather3A_939 = tpu.memref_slice %arg11[%gather3A_936, %gather3A_937, %gather3A_938] : memref<8x32x128xf32, #tpu.memory_space<vmem>> -> memref<1x32x128xf32, #tpu.memory_space<vmem>>
      %gather3A_940 = tpu.memref_squeeze %gather3A_939 : memref<1x32x128xf32, #tpu.memory_space<vmem>> -> memref<32x128xf32, #tpu.memory_space<vmem>>
      %gather3A_941 = tpu.vector_load_idx %gather3A_940[%iota3A, %broadcast_in_dim3A_934] : memref<32x128xf32, #tpu.memory_space<vmem>>[vector<16xi32>, vector<16xi32>], vector<16xf32>,
      %gather3A_942 = arith.constant 7 : i32
      %gather3A_943 = arith.constant 0 : i32
      %gather3A_944 = arith.constant 0 : i32
      %gather3A_945 = tpu.memref_slice %arg11[%gather3A_942, %gather3A_943, %gather3A_944] : memref<8x32x128xf32, #tpu.memory_space<vmem>> -> memref<1x32x128xf32, #tpu.memory_space<vmem>>
      %gather3A_946 = tpu.memref_squeeze %gather3A_945 : memref<1x32x128xf32, #tpu.memory_space<vmem>> -> memref<32x128xf32, #tpu.memory_space<vmem>>
      %gather3A_947 = tpu.vector_load_idx %gather3A_946[%add3A_5, %broadcast_in_dim3A_934] : memref<32x128xf32, #tpu.memory_space<vmem>>[vector<16xi32>, vector<16xi32>], vector<16xf32>,
      tpu.vector_store_idx %arg13[%iota3A, %broadcast_in_dim3A_935], %gather3A_941 : memref<32x128xf32, #tpu.memory_space<vmem>>[vector<16xi32>, vector<16xi32>], vector<16xf32>,
      tpu.vector_store_idx %arg13[%add3A_5, %broadcast_in_dim3A_935], %gather3A_947 : memref<32x128xf32, #tpu.memory_space<vmem>>[vector<16xi32>, vector<16xi32>], vector<16xf32>,
      %add3A_948 = arith.constant 8 : i32
      %add3A_949 = arith.addi %add3A_876, %add3A_948 : i32
      %lt3A_950 = arith.constant 128 : i32
      %lt3A_951 = arith.cmpi slt, %add3A_949, %lt3A_950 : i32
      %convert_element_type3A_952 = arith.extui %lt3A_951 : i1 to i32
      %cond3A_953 = arith.constant 0 : i32
      %cond3A_954 = arith.cmpi ne, %convert_element_type3A_952, %cond3A_953 : i32
      scf.if %cond3A_954 {
        %slice3A_955 = vector.extract_strided_slice %get3A_301 {offsets = [15], sizes = [1], strides = [1]} : vector<16xi32> to vector<1xi32>
        %squeeze3A_956 = vector.extract %slice3A_955[0] : i32 from vector<1xi32>
        %slice3A_957 = vector.extract_strided_slice %get3A_305 {offsets = [15], sizes = [1], strides = [1]} : vector<16xi32> to vector<1xi32>
        %squeeze3A_958 = vector.extract %slice3A_957[0] : i32 from vector<1xi32>
        %and3A_959 = arith.constant -128 : i32
        %and3A_960 = arith.andi %squeeze3A_956, %and3A_959 : i32
        %multiple_of3A_961 = tpu.assume_multiple %and3A_960, 128 : i32
        %and3A_962 = arith.constant -128 : i32
        %and3A_963 = arith.andi %squeeze3A_958, %and3A_962 : i32
        %multiple_of3A_964 = tpu.assume_multiple %and3A_963, 128 : i32
        %dma_start3A_965 = arith.constant 7 : i32
        %dma_start3A_966 = arith.constant 0 : i32
        %dma_start3A_967 = arith.constant 0 : i32
        %dma_start3A_968 = tpu.memref_slice %arg10[%dma_start3A_965, %dma_start3A_966, %dma_start3A_967] : memref<8x32x128xf32, #tpu.memory_space<vmem>> -> memref<1x32x128xf32, #tpu.memory_space<vmem>>
        %dma_start3A_969 = tpu.memref_squeeze %dma_start3A_968 : memref<1x32x128xf32, #tpu.memory_space<vmem>> -> memref<32x128xf32, #tpu.memory_space<vmem>>
        %dma_start3A_970 = arith.constant 0 : i32
        %dma_start3A_971 = tpu.memref_slice %arg4[%dma_start3A_970, %multiple_of3A_961] : memref<32x1000000xf32, #tpu.memory_space<hbm>> -> memref<32x128xf32, #tpu.memory_space<hbm>>
        %dma_start3A_972 = arith.constant 0 : i32
        %dma_start3A_973 = arith.constant 0 : i32
        %dma_start3A_974 = tpu.memref_slice %arg10[%dma_start3A_965, %dma_start3A_972, %dma_start3A_973] : memref<8x32x128xf32, #tpu.memory_space<vmem>> -> memref<1x32x128xf32, #tpu.memory_space<vmem>>
        %dma_start3A_975 = tpu.memref_squeeze %dma_start3A_974 : memref<1x32x128xf32, #tpu.memory_space<vmem>> -> memref<32x128xf32, #tpu.memory_space<vmem>>
        %dma_start3A_976 = arith.constant 0 : i32
        %dma_start3A_977 = tpu.memref_slice %arg4[%dma_start3A_976, %multiple_of3A_961] : memref<32x1000000xf32, #tpu.memory_space<hbm>> -> memref<32x128xf32, #tpu.memory_space<hbm>>
        tpu.enqueue_dma source(%dma_start3A_977 : memref<32x128xf32, #tpu.memory_space<hbm>>) target(%dma_start3A_975 : memref<32x128xf32, #tpu.memory_space<vmem>>) target_semaphore(%arg21 : memref<!tpu.dma_semaphore, #tpu.memory_space<semaphore_mem>>)
        %dma_start3A_978 = arith.constant 7 : i32
        %dma_start3A_979 = arith.constant 0 : i32
        %dma_start3A_980 = arith.constant 0 : i32
        %dma_start3A_981 = tpu.memref_slice %arg11[%dma_start3A_978, %dma_start3A_979, %dma_start3A_980] : memref<8x32x128xf32, #tpu.memory_space<vmem>> -> memref<1x32x128xf32, #tpu.memory_space<vmem>>
        %dma_start3A_982 = tpu.memref_squeeze %dma_start3A_981 : memref<1x32x128xf32, #tpu.memory_space<vmem>> -> memref<32x128xf32, #tpu.memory_space<vmem>>
        %dma_start3A_983 = arith.constant 0 : i32
        %dma_start3A_984 = tpu.memref_slice %arg5[%dma_start3A_983, %multiple_of3A_964] : memref<32x1000000xf32, #tpu.memory_space<hbm>> -> memref<32x128xf32, #tpu.memory_space<hbm>>
        %dma_start3A_985 = arith.constant 0 : i32
        %dma_start3A_986 = arith.constant 0 : i32
        %dma_start3A_987 = tpu.memref_slice %arg11[%dma_start3A_978, %dma_start3A_985, %dma_start3A_986] : memref<8x32x128xf32, #tpu.memory_space<vmem>> -> memref<1x32x128xf32, #tpu.memory_space<vmem>>
        %dma_start3A_988 = tpu.memref_squeeze %dma_start3A_987 : memref<1x32x128xf32, #tpu.memory_space<vmem>> -> memref<32x128xf32, #tpu.memory_space<vmem>>
        %dma_start3A_989 = arith.constant 0 : i32
        %dma_start3A_990 = tpu.memref_slice %arg5[%dma_start3A_989, %multiple_of3A_964] : memref<32x1000000xf32, #tpu.memory_space<hbm>> -> memref<32x128xf32, #tpu.memory_space<hbm>>
        tpu.enqueue_dma source(%dma_start3A_990 : memref<32x128xf32, #tpu.memory_space<hbm>>) target(%dma_start3A_988 : memref<32x128xf32, #tpu.memory_space<vmem>>) target_semaphore(%arg29 : memref<!tpu.dma_semaphore, #tpu.memory_space<semaphore_mem>>)
      } else {
      }
    }
    %scan3A_296 = arith.constant 16 : i32
    "tpu.region"() ({
      %run_scoped3A = tpu.sem_alloc : memref<!tpu.dma_semaphore, #tpu.memory_space<semaphore_mem>>
      %dma_start3A_297 = arith.constant 0 : i32
      %dma_start3A_298 = tpu.memref_slice %arg6[%mul3A_2, %dma_start3A_297] : memref<4096x32xf32, #tpu.memory_space<hbm>> -> memref<128x32xf32, #tpu.memory_space<hbm>>
      %dma_start3A_299 = arith.constant 0 : i32
      %dma_start3A_300 = tpu.memref_slice %arg6[%mul3A_2, %dma_start3A_299] : memref<4096x32xf32, #tpu.memory_space<hbm>> -> memref<128x32xf32, #tpu.memory_space<hbm>>
      tpu.enqueue_dma source(%arg12 : memref<128x32xf32, #tpu.memory_space<vmem>>) target(%dma_start3A_300 : memref<128x32xf32, #tpu.memory_space<hbm>>) target_semaphore(%run_scoped3A : memref<!tpu.dma_semaphore, #tpu.memory_space<semaphore_mem>>)
      %dma_wait3A = arith.constant 0 : i32
      %dma_wait3A_301 = tpu.memref_slice %arg6[%mul3A_2, %dma_wait3A] : memref<4096x32xf32, #tpu.memory_space<hbm>> -> memref<128x32xf32, #tpu.memory_space<hbm>>
      %dma_wait3A_302 = arith.constant 0 : i32
      %dma_wait3A_303 = tpu.memref_slice %arg6[%mul3A_2, %dma_wait3A_302] : memref<4096x32xf32, #tpu.memory_space<hbm>> -> memref<128x32xf32, #tpu.memory_space<hbm>>
      tpu.wait_dma2 semaphore(%run_scoped3A : memref<!tpu.dma_semaphore, #tpu.memory_space<semaphore_mem>>) src(%arg12 : memref<128x32xf32, #tpu.memory_space<vmem>>) dst(%dma_wait3A_303 : memref<128x32xf32, #tpu.memory_space<hbm>>)
      tpu.yield
    }) : () -> ()
    "tpu.region"() ({
      %run_scoped3A = tpu.sem_alloc : memref<!tpu.dma_semaphore, #tpu.memory_space<semaphore_mem>>
      %dma_start3A_297 = arith.constant 0 : i32
      %dma_start3A_298 = tpu.memref_slice %arg7[%dma_start3A_297, %mul3A_2] : memref<32x4096xf32, #tpu.memory_space<hbm>> -> memref<32x128xf32, #tpu.memory_space<hbm>>
      %dma_start3A_299 = arith.constant 0 : i32
      %dma_start3A_300 = tpu.memref_slice %arg7[%dma_start3A_299, %mul3A_2] : memref<32x4096xf32, #tpu.memory_space<hbm>> -> memref<32x128xf32, #tpu.memory_space<hbm>>
      tpu.enqueue_dma source(%arg13 : memref<32x128xf32, #tpu.memory_space<vmem>>) target(%dma_start3A_300 : memref<32x128xf32, #tpu.memory_space<hbm>>) target_semaphore(%run_scoped3A : memref<!tpu.dma_semaphore, #tpu.memory_space<semaphore_mem>>)
      %dma_wait3A = arith.constant 0 : i32
      %dma_wait3A_301 = tpu.memref_slice %arg7[%dma_wait3A, %mul3A_2] : memref<32x4096xf32, #tpu.memory_space<hbm>> -> memref<32x128xf32, #tpu.memory_space<hbm>>
      %dma_wait3A_302 = arith.constant 0 : i32
      %dma_wait3A_303 = tpu.memref_slice %arg7[%dma_wait3A_302, %mul3A_2] : memref<32x4096xf32, #tpu.memory_space<hbm>> -> memref<32x128xf32, #tpu.memory_space<hbm>>
      tpu.wait_dma2 semaphore(%run_scoped3A : memref<!tpu.dma_semaphore, #tpu.memory_space<semaphore_mem>>) src(%arg13 : memref<32x128xf32, #tpu.memory_space<vmem>>) dst(%dma_wait3A_303 : memref<32x128xf32, #tpu.memory_space<hbm>>)
      tpu.yield
    }) : () -> ()
    return
  }
}

module attributes {stable_mosaic.version = 14 : i64} {
  func.func @_mm_body(%arg0: i32, %arg1: memref<512x32xf32, #tpu.memory_space<vmem>>, %arg2: memref<32x4096xf32, #tpu.memory_space<vmem>>, %arg3: memref<512x4096xf32, #tpu.memory_space<vmem>>) attributes {dimension_semantics = [#tpu.dimension_semantics<arbitrary>], iteration_bounds = array<i64: 8>, scalar_prefetch = 0 : i64, scratch_operands = 0 : i64, tpu.core_type = #tpu.core_type<tc>, window_params = [{transform_indices = @transform_0, window_bounds = array<i64: 512, 32>}, {pipeline_mode = #tpu.pipeline_mode<synchronous>, transform_indices = @transform_1, window_bounds = array<i64: 32, 4096>}, {transform_indices = @transform_2, window_bounds = array<i64: 512, 4096>}]} {
    %get3A = arith.constant 0 : index
    %get3A_0 = arith.constant 0 : index
    %get3A_1 = vector.load %arg1[%get3A, %get3A_0] : memref<512x32xf32, #tpu.memory_space<vmem>>, vector<512x32xf32>
    %get3A_2 = arith.constant 0 : index
    %get3A_3 = arith.constant 0 : index
    %get3A_4 = vector.load %arg2[%get3A_2, %get3A_3] : memref<32x4096xf32, #tpu.memory_space<vmem>>, vector<32x4096xf32>
    %dot_general3A = arith.constant dense<0.000000e+00> : vector<512x4096xf32>
    %dot_general3A_5 = tpu.matmul %get3A_1, %get3A_4, %dot_general3A {dimension_numbers = #tpu.dot_dimension_numbers<[1], [0], [0], [1], [0, 0, 1, 1], [], []>, transpose_lhs_hint = false} : vector<512x32xf32>, vector<32x4096xf32>, vector<512x4096xf32> -> vector<512x4096xf32>
    %swap3A = arith.constant 0 : index
    %swap3A_6 = arith.constant 0 : index
    %swap3A_7 = vector.load %arg3[%swap3A, %swap3A_6] : memref<512x4096xf32, #tpu.memory_space<vmem>>, vector<512x4096xf32>
    tpu.vector_store %arg3[%swap3A, %swap3A_6], %dot_general3A_5 {strides = array<i32>} : memref<512x4096xf32, #tpu.memory_space<vmem>>, vector<512x4096xf32>,
    return
  }
  func.func @transform_0(%arg0: i32) -> (i32, i32) {
    %c0_i32 = arith.constant 0 : i32
    %c0_i32_0 = arith.constant 0 : i32
    return %arg0, %c0_i32 : i32, i32
  }
  func.func @transform_1(%arg0: i32) -> (i32, i32) {
    %c0_i32 = arith.constant 0 : i32
    %c0_i32_0 = arith.constant 0 : i32
    %c0_i32_1 = arith.constant 0 : i32
    return %c0_i32, %c0_i32_0 : i32, i32
  }
  func.func @transform_2(%arg0: i32) -> (i32, i32) {
    %c0_i32 = arith.constant 0 : i32
    %c0_i32_0 = arith.constant 0 : i32
    return %arg0, %c0_i32 : i32, i32
  }
}

</mosaic_0001>

<sc_bundles>
// kernel: kernel.4.cloned.1.call-start
scs
__scs_entry_jumppad:
0x0: {  	(pc) =	sbr.rel $0x88, $3  }
0x1: {  	(tag) =	ssettag $0x0;
	lr =	simm.s32 $0x1  }
0x2: {  	[smem:$0x3F9D] =	sst lr;
	_ =	strace $0xD0000000  }
0x3: {  	_ = 	snop  }
0x4: {  	_ = 	snop  }
0x5: {  	_ = 	snop  }
0x6: {  	_ = 	snop  }
0x7: {  	_ = 	snop  }
__scs_overlays_trampoline_lowered:
0x8: {  	[smem:$0x3FAC] =	sst s0  }
0x9: {  	[smem:$0x3FAD] =	sst s1  }
0xa: {  	[smem:$0x3FAE] =	sst s2  }
0xb: {  	[smem:$0x3FAF] =	sst s3  }
0xc: {  	[smem:$0x3FB0] =	sst s4  }
0xd: {  	[smem:$0x3FB1] =	sst s5  }
0xe: {  	[smem:$0x3FB2] =	sst s6  }
0xf: {  	[smem:$0x3FB3] =	sst s7  }
0x10: {  	[smem:$0x3FB4] =	sst s8  }
0x11: {  	[smem:$0x3FB5] =	sst s9;
	s0 =	simm.s32 @!p0 $0x0  }
0x12: {  	s1 =	sld [smem:$0x3F9B];
	s0 =	simm.s32 @p0 $0x1  }
0x13: {  	[smem:$0x3FB6] =	sst s0;
	s0 =	simm.s32 @!p1 $0x0  }
0x14: {  	s2 =	sld [smem:$0x3F9A];
	s0 =	simm.s32 @p1 $0x1  }
0x15: {  	[smem:$0x3FB7] =	sst s0;
	s0 =	simm.s32 @!p2 $0x0  }
0x16: {  	s3 =	sld [smem:$0x3FDB];
	s0 =	simm.s32 @p2 $0x1  }
0x17: {  	s4 =	simm.s32 $0x1BF5;
	[smem:$0x3FB9] =	sst s0  }
0x18: {  	s0 =	sld [smem:$0x3F9C];
	_ =	swait.ge [sflag:s4], $0x0  }
0x19: {  	s7 =	sld [smem:$0x3F9D]  }
0x1a: {  	s8 =	sadd.s32 $0xFFFFE003, lr  }
0x1b: {  	s9 =	sadd.s32 $0xFFFFFEF7, lr;
	s5 =	simm.s32 $0xFFFFFFFF;
	p2 =	slt.u32 s8, $0xFFFFF086  }
0x1c: {  	p1 =	slt.u32 s9, $0xF7A;
	s5 =	simm.s32 @!p2 $0x0  }
0x1d: {  	s5 =	simm.s32 @p1 $0x1;
	p0 =	seq.s32 s7, s2  }
0x1e: {  	s7 =	smul.u32 @!p0 $0xF7A, s2;
	p2 =	seq.s32 @!p0 s5, $0x0  }
0x1f: {  	s9 =	smul.u32 $0xF7A, s1;
	s8 =	simm.s32 @!p0 $0x1BF5;
	p2 =	por !p2, p0  }
0x20: {  	[sflag:s8] =	ssyncset.s32 @!p0 $0xFFFFF086;
	s6 =	sadd.s32 @!p0 s3, s7;
	s7 =	simm.s32 @!p0 $0x108  }
0x21: {  	s3 =	sadd.s32 s3, s9;
	s6 =	sadd.s32 @!p0 $0x88, s6;
	s7 =	simm.s32 @p2 $0x1082  }
0x22: {  	[simem:s7], [sflag:s8] =	dma.local @!p0 [hbm:s6], $0xF7A  }
0x23: {  	s9 =	sor.u32 $0xD0000000, s2;
	s6 =	simm.s32 $0x108;
	_ =	swait.ge @!p0 [sflag:s8], $0x0  }
0x24: {  	s3 =	sadd.s32 $0x88, s3;
	s6 =	simm.s32 @!p1 $0x1082;
	[sflag:s4] =	ssyncset.s32 $0xFFFFF086  }
0x25: {  	[simem:s6], [sflag:s4] =	dma.local [hbm:s3], $0xF7A  }
0x26: {  	[smem:$0x3F9D] =	sst s1;
	(tag) =	ssettag s2;
	_ =	strace s9  }
0x27: {  	s1 =	sld [smem:$0x3FAD]  }
0x28: {  	s2 =	sld [smem:$0x3FAE]  }
0x29: {  	s4 =	sld [smem:$0x3FB0]  }
0x2a: {  	p0 =	seq.s32 s5, $0x0;
	s5 =	sld [smem:$0x3FB1]  }
0x2b: {  	s6 =	sld [smem:$0x3FB2]  }
0x2c: {  	s7 =	sld [smem:$0x3FB3]  }
0x2d: {  	s3 =	simm.s32 $0x108;
	s8 =	sld [smem:$0x3FB4]  }
0x2e: {  	s3 =	simm.s32 @!p0 $0x1082;
	s9 =	sld [smem:$0x3FB5]  }
0x2f: {  	lr =	sadd.s32 s0, s3;
	s0 =	sld [smem:$0x3FAC]  }
0x30: {  	s3 =	sld [smem:$0x3FAF]  }
0x31: {  	[smem:$0x3FB8] =	sst s10  }
0x32: {  	s10 =	sld [smem:$0x3FB6];
	_ =	sdelay $0x3  }
0x33: {  	p0 =	seq.s32 s10, $0x1;
	s10 =	sld [smem:$0x3FB8];
	_ =	sdelay $0x3  }
0x34: {  	[smem:$0x3FB8] =	sst s10  }
0x35: {  	s10 =	sld [smem:$0x3FB7];
	_ =	sdelay $0x3  }
0x36: {  	p1 =	seq.s32 s10, $0x1;
	s10 =	sld [smem:$0x3FB8];
	_ =	sdelay $0x3  }
0x37: {  	[smem:$0x3FB8] =	sst s10  }
0x38: {  	s10 =	sld [smem:$0x3FB9]  }
0x39: {  	_ = 	snop;
	(pc) =	sbr.ind lr, $3  }
0x3a: {  	_ = 	snop  }
0x3b: {  	_ = 	snop  }
0x3c: {  	p2 =	seq.s32 s10, $0x1;
	s10 =	sld [smem:$0x3FB8]  }
0x3d: {  	_ =	shalt  }
0x3e: {  	_ =	shalt  }
0x3f: {  	_ =	shalt  }
0x40: {  	_ =	shalt  }
0x41: {  	_ =	shalt  }
0x42: {  	_ =	shalt  }
0x43: {  	_ =	shalt  }
0x44: {  	_ =	shalt  }
0x45: {  	_ =	shalt  }
0x46: {  	_ =	shalt  }
0x47: {  	_ =	shalt  }
0x48: {  	_ =	shalt  }
0x49: {  	_ =	shalt  }
0x4a: {  	_ =	shalt  }
0x4b: {  	_ =	shalt  }
0x4c: {  	_ =	shalt  }
0x4d: {  	_ =	shalt  }
0x4e: {  	_ =	shalt  }
0x4f: {  	_ =	shalt  }
0x50: {  	_ =	shalt  }
0x51: {  	_ =	shalt  }
0x52: {  	_ =	shalt  }
0x53: {  	_ =	shalt  }
0x54: {  	_ =	shalt  }
0x55: {  	_ =	shalt  }
0x56: {  	_ =	shalt  }
0x57: {  	_ =	shalt  }
0x58: {  	_ =	shalt  }
0x59: {  	_ =	shalt  }
0x5a: {  	_ =	shalt  }
0x5b: {  	_ =	shalt  }
0x5c: {  	_ =	shalt  }
0x5d: {  	_ =	shalt  }
0x5e: {  	_ =	shalt  }
0x5f: {  	_ =	shalt  }
0x60: {  	_ =	shalt  }
0x61: {  	_ =	shalt  }
0x62: {  	_ =	shalt  }
0x63: {  	_ =	shalt  }
0x64: {  	_ =	shalt  }
0x65: {  	_ =	shalt  }
0x66: {  	_ =	shalt  }
0x67: {  	_ =	shalt  }
0x68: {  	_ =	shalt  }
0x69: {  	_ =	shalt  }
0x6a: {  	_ =	shalt  }
0x6b: {  	_ =	shalt  }
0x6c: {  	_ =	shalt  }
0x6d: {  	_ =	shalt  }
0x6e: {  	_ =	shalt  }
0x6f: {  	_ =	shalt  }
0x70: {  	_ =	shalt  }
0x71: {  	_ =	shalt  }
0x72: {  	_ =	shalt  }
0x73: {  	_ =	shalt  }
0x74: {  	_ =	shalt  }
0x75: {  	_ =	shalt  }
0x76: {  	_ =	shalt  }
0x77: {  	_ =	shalt  }
0x78: {  	_ =	shalt  }
0x79: {  	_ =	shalt  }
0x7a: {  	_ =	shalt  }
0x7b: {  	_ =	shalt  }
0x7c: {  	_ =	shalt  }
0x7d: {  	_ =	shalt  }
0x7e: {  	_ =	shalt  }
0x7f: {  	_ =	shalt  }
0x80: {  	_ =	shalt  }
0x81: {  	_ =	shalt  }
0x82: {  	_ =	shalt  }
0x83: {  	_ =	shalt  }
0x84: {  	_ =	shalt  }
0x85: {  	_ =	shalt  }
0x86: {  	_ =	shalt  }
0x87: {  	_ =	shalt  }
.Lfunc_end0:
.L_simem_size_0:
called_computation_lowered:
.L_overlay_start_0:
0x88: {  	s2 =	sld [smem:$0x3FD9]  }
0x89: {  	s3 =	sld [smem:$0x3FFE];
	_ =	sdelay $0x1  }
0x8a: {  	s1 =	srdreg.scid  }
0x8b: {  	s0 =	sand.u32 $0x1, s1  }
0x8c: {  	s17 =	sshll.u32 s0, $0xA;
	s2 =	sadd.s32 s3, s2  }
0x8d: {  	s2 =	sadd.s32 s2, s17  }
0x8e: {  	[smem:$0x3FC4] =	sst s2  }
0x8f: {  	_ = 	snop  }
0x90: {  	s2 =	sld [smem:$0x3FC9]  }
0x91: {  	s18 =	sld [smem:$0x3FC8]  }
0x92: {  	s4 =	sld [smem:$0x3FC7]  }
0x93: {  	s5 =	sld [smem:$0x3FC6]  }
0x94: {  	s6 =	sld [smem:$0x3FD0];
	(tm) =	ssettm $0x1  }
0x95: {  	s7 =	sld [smem:$0x3FFB];
	_ =	sdelay $0x3  }
0x96: {  	_ =	strace s7  }
0x97: {  	s7 =	sld [smem:$0x3FFC];
	_ =	sdelay $0x3  }
0x98: {  	_ =	strace s7  }
0x99: {  	s7 =	sld [smem:$0x3FFD];
	_ =	sdelay $0x3  }
0x9a: {  	_ =	strace s7  }
0x9b: {  	_ =	strace $0x8FFFFFFF  }
0x9c: {  	s19 =	sld [smem:$0x3FDB];
	_ =	sdelay $0x1  }
0x9d: {  	s8 =	simm.s32 $_scs_section_size  }
0x9e: {  	s9 =	simm.s32 $_size__tile_overlayer_lowered;
	s10 =	simm.s32 $_tile_overlayer_lowered  }
0x9f: {  	s22 =	simm.s32 $0x1BFF;
	s21 =	sshll.u32 s10, $0x1;
	s7 =	sadd.s32 s8, s19  }
0xa0: {  	s11 =	simm.s32 $0x0;
	s20 =	sshll.u32 s9, $0x1;
	s9 =	sadd.s32 s21, s7  }
0xa1: {  	[timem:s11], [sflag:s22] =	dma.local [hbm:s9], s20  }
0xa2: {  	_ =	swait.ge [sflag:s22], s20  }
0xa3: {  	s8 =	ssub.s32 $0x0, s20;
	[sflag:s22] =	ssyncset.done $0x0  }
0xa4: {  	[sflag:s22] =	ssyncadd.s32 s8;
	_ =	sdelay $0x1  }
0xa5: {  	s23 =	simm.s32 $0x1B8B  }
0xa6: {  	_ =	swait.ge [sflag:s23], $0x1  }
0xa7: {  	[sflag:s23] =	ssyncset.done $0x0  }
0xa8: {  	s25 =	simm.s32 $0x1B8E;
	s24 =	sld [smem:$0x3FFE];
	[sflag:s23] =	ssyncadd.s32 $0xFFFFFFFF  }
0xa9: {  	s26 =	simm.s32 $execute0_lowered;
	[smem:$0x3FD2] =	sst s25  }
0xaa: {  	s9 =	sshll.u32 s26, $0x1;
	_ =	strace $0x80000046;
	[dreg:$0x1] =	wrdreg $0xFFFFFFFF  }
0xab: {  	s28 =	simm.s32 $_size_execute0_lowered;
	s7 =	sadd.s32 s7, s9;
	[dreg:$0x0] =	wrdreg $0x0  }
0xac: {  	s9 =	sshll.u32 s28, $0x1;
	[dreg:$0x2] =	wrdreg s7  }
0xad: {  	[dreg:$0x3] =	wrdreg s9  }
0xae: {  	[dreg:$0x4] =	wrdreg $0xC0  }
0xaf: {  	_ =	task [dreg:s11], $0x5FFFF  }
0xb0: {  	[dreg:$0x1] =	wrdreg $0xFFFFFFFF  }
0xb1: {  	[dreg:$0x0] =	wrdreg $0x60  }
0xb2: {  	[dreg:$0x2] =	wrdreg s2  }
0xb3: {  	[dreg:$0x3] =	wrdreg s18  }
0xb4: {  	[dreg:$0x4] =	wrdreg s4  }
0xb5: {  	[dreg:$0x5] =	wrdreg s5  }
0xb6: {  	[dreg:$0x6] =	wrdreg s6  }
0xb7: {  	[dreg:$0x7] =	wrdreg s24  }
0xb8: {  	[dreg:$0x8] =	wrdreg $0x9  }
0xb9: {  	_ =	task.clear_ibuf [dreg:s11], $0x9FFFF;
	_ =	strace $0x90000046  }
0xba: {  	s29 =	simm.s32 $0x9;
	_ =	strace $0x80000048  }
0xbb: {  	_ =	swait.ge [sflag:s29], $0x1  }
0xbc: {  	[sflag:s29] =	ssyncadd.s32 $0xFFFFFFFF  }
0xbd: {  	_ =	strace $0x90000048  }
0xbe: {  	_ =	sfence  }
0xbf: {  	s30 =	sld [smem:$0x0];
	_ =	sdelay $0x2  }
0xc0: {  	s31 =	sshll.u32 s1, $0xD;
	s1 =	sshrl.u32 s1, $0x2  }
0xc1: {  	s3 =	sand.u32 $0x4000, s31;
	s1 =	sadd.s32 s1, s30  }
0xc2: {  	s0 =	sor.u32 s3, s0;
	s1 =	sshll.u32 s1, $0x11  }
0xc3: {  	s0 =	sor.u32 s1, s0  }
0xc4: {  	s0 =	sadd.s32 $0x8F2B, s0  }
0xc5: {  	[sflag:s0] =	ssyncadd.remote.s32 $0x1  }
0xc6: {  	_ =	sfence.sel $0xFFFF  }
0xc7: {  	[dreg:$0x0] =	wrdreg $0xFFFFFFFF;
	(pc) =	sbr.abs _section_cstart, $3  }
0xc8: {  	[dreg:$0x1] =	wrdreg $0xFFFFFFFF  }
0xc9: {  	_ =	task.clear_ibuf [dreg:s11], $0x2FFFF;
	_ =	strace $0x9FFFFFFF  }
0xca: {  	(tm) =	ssettm $0x7FFFFFFF  }
0xcb: {  	_ =	shalt  }
tec
execute0_lowered:
.L_overlay_start_1:
0x0: {  	(tag) =	ssettag $0x1  }
0x1: {  	s0 =	rddreg [dreg:$0x0]  }
0x2: {  	s3 =	rddreg [dreg:$0x1]  }
0x3: {  	s1 =	rddreg [dreg:$0x2]  }
0x4: {  	s2 =	rddreg [dreg:$0x3]  }
0x5: {  	s4 =	rddreg [dreg:$0x4]  }
0x6: {  	s5 =	rddreg [dreg:$0x5];
	s20 =	simm.s32 $0x0;
	s6 =	srdreg.scid  }
0x7: {  	s7 =	stileid.u32;
	s12 =	simm.s32 $0x200;
	s11 =	simm.s32 $0x8200  }
0x8: {  	s28 =	simm.s32 $0x1200;
	s29 =	simm.s32 $0x9200;
	s30 =	simm.s32 $0x2200  }
0x9: {  	s31 =	simm.s32 $0xA200;
	s9 =	simm.s32 $0xD200;
	s10 =	simm.s32 $0xE200  }
0xa: {  	s13 =	simm.s32 $0x7200;
	s14 =	simm.s32 $0xF200;
	s15 =	simm.s32 $0x7  }
0xb: {  	s16 =	simm.s32 $0xF;
	s17 =	simm.s32 $0x8;
	s18 =	simm.s32 $0x10  }
0xc: {  	[smem:$0x7FF] =	sst s20;
	s6 =	sand.u32 $0x1, s6;
	s7 =	sshll.u32 s7, $0x8  }
0xd: {  	s8 =	sshll.u32 s6, $0x7;
	s6 =	ssub.s32 $0x2, s6;
	_ =	strace $0x80000047  }
0xe: {  	s7 =	sor.u32 s8, s7;
	s21 =	sshrl.u32 s6, $0x1;
	s8 =	simm.s32 $0x5200  }
0xf: {  	s5 =	sadd.s32 s7, s5;
	s6 =	ssub.s32 s6, s21;
	s22 =	sshrl.u32 s7, $0x3  }
0x10: {  	s24 =	sshll.u32 s7, $0x4;
	s7 =	simm.s32 $0xC200;
	s21 =	simm.s32 $0x0  }
0x11: {  	s0 =	sadd.s32 s0, s22;
	s23 =	sadd.s32 s3, s22;
	s25 =	sadd.s32 $0xC00, s5  }
.Ltmp0:
0x12: {  	s26 =	smax.u32 s6, $0x1;
	[dreg:$0x7] =	wrdreg s0;
	(pc) =	sbr.rel .LBB2_1-.Ltmp0, $4  }
0x13: {  	v0 =	vlaneseq.u32;
	s22 =	simm.s32 $0x11;
	s3 =	simm.s32 $0x3200;
	[dreg:$0x8] =	wrdreg s23  }
0x14: {  	v0 =	vmul.u32 $0x80, v0;
	s5 =	simm.s32 $0xB200;
	s6 =	simm.s32 $0x4200;
	[dreg:$0xa] =	wrdreg s25  }
0x15: {  	s0 =	sadd.s32 s4, s24;
	[dreg:$0xb] =	wrdreg s26;
	s23 =	simm.s32 $0x400  }
0x16: {  	v1 =	vor.u32 $0x800, v0;
	s4 =	simm.s32 $0x6200;
	[dreg:$0x9] =	wrdreg s0;
	s0 =	simm.s32 $0x14200  }
.LBB2_4:
0x17: {  	s20 =	simm.s32 $0x0  }
0x18: {  	s19 =	rddreg [dreg:$0x9];
	s21 =	simm.s32 $0x10200;
	s22 =	simm.s32 $0x11  }
0x19: {  	[hbm4b:s19+s20] =	stream.linear.scatter [tilespmem:s21], [sflag:$0x11], $0x4000, $0x38;
	[tilespmem:$0x15200] =	vst v63  }
0x1a: {  	_ =	swait.ge [sflag:s22], $0x4000  }
0x1b: {  	s23 =	simm.s32 $0x400;
	[sflag:s22] =	ssyncset.done $0x0  }
0x1c: {  	s24 =	simm.s32 $0x8000;
	s21 =	rddreg [dreg:$0xa];
	[sflag:s22] =	ssyncadd.s32 $0xFFFFC000  }
0x1d: {  	[hbm4b:s21+s23] =	stream.strided.scatter [tilespmem:s0], [sflag:$0x11], $0x1000, s24, s23, $0x38;
	[tilespmem:$0x15200] =	vst v63  }
0x1e: {  	_ =	swait.ge [sflag:s22], $0x1000  }
0x1f: {  	s25 =	rddreg [dreg:$0xc]  }
0x20: {  	s26 =	rddreg [dreg:$0xb];
	s21 =	sadd.s32 $0x1, s25  }
0x21: {  	p0 =	sne.s32 s21, s26  }
.Ltmp1:
0x22: {  	_ = 	snop;
	(pc) =	sbr.rel @!p0 .LBB2_5-.Ltmp1, $3  }
0x23: {  	_ =	sdelay $0x1  }
0x24: {  	[sflag:s22] =	ssyncset.done $0x0  }
0x25: {  	[sflag:s22] =	ssyncadd.s32 $0xFFFFF000  }
.LBB2_1:
0x26: {  	[dreg:$0xc] =	wrdreg s21  }
0x27: {  	s19 =	rddreg [dreg:$0x7]  }
0x28: {  	[tilespmem:s20], [sflag:$0x11] =	stream.linear.gather [hbm4b:s19+s20], $0x80, $0x38;
	[tilespmem:$0x15200] =	vst v63  }
0x29: {  	_ =	swait.ge [sflag:s22], $0x80  }
0x2a: {  	[sflag:s22] =	ssyncset.done $0x0  }
0x2b: {  	s19 =	simm.s32 $0x100;
	s26 =	rddreg [dreg:$0x8];
	[sflag:s22] =	ssyncadd.s32 $0xFFFFFF80  }
0x2c: {  	[tilespmem:s19], [sflag:$0x11] =	stream.linear.gather [hbm4b:s26+s20], $0x80, $0x38;
	[tilespmem:$0x15200] =	vst v63  }
0x2d: {  	_ =	swait.ge [sflag:s22], $0x80  }
0x2e: {  	[sflag:s22] =	ssyncset.done $0x0  }
0x2f: {  	[sflag:s22] =	ssyncadd.s32 $0xFFFFFF80  }
0x30: {  	v2 =	vld [tilespmem:$0x0];
	_ =	sdelay $0x2  }
0x31: {  	v3 =	vld [tilespmem:$0x100];
	_ =	sdelay $0x1  }
0x32: {  	(v2sf) =	vpush v2, $0x0;
	_ =	sdelay $0x2  }
0x33: {  	(v2sf) =	vpush v3, $0x0;
	_ =	sdelay $0x2  }
0x34: {  	(v2sf) =	vpush v2, $0x1;
	_ =	sdelay $0x4  }
0x35: {  	(v2sf) =	vpush v3, $0x1;
	_ =	sdelay $0x3  }
0x36: {  	s24 =	spop (v2sf);
	(v2sf) =	vpush v2, $0x2;
	_ =	sdelay $0x1  }
0x37: {  	s20 =	sand.u32 $0xFFFFF80, s24  }
0x38: {  	s22 =	simm.s32 $0x7A1400;
	s25 =	spop (v2sf);
	s20 =	sadd.s32 s1, s20  }
0x39: {  	(v2sf) =	vpush v3, $0x2;
	[tilespmem:s12], [sflag:$0x1] =	stream.strided.gather [hbm4b:s20+s23], $0x1000, s22, s23, $0x38;
	[tilespmem:$0x15200] =	vst v63  }
0x3a: {  	s20 =	sand.u32 $0xFFFFF80, s25  }
0x3b: {  	s26 =	spop (v2sf);
	s20 =	sadd.s32 s2, s20  }
0x3c: {  	[tilespmem:s11], [sflag:$0x9] =	stream.strided.gather [hbm4b:s20+s23], $0x1000, s22, s23, $0x38;
	[tilespmem:$0x15200] =	vst v63  }
0x3d: {  	(v2sf) =	vpush v2, $0x3;
	s20 =	sand.u32 $0xFFFFF80, s26  }
0x3e: {  	s20 =	sadd.s32 s1, s20  }
0x3f: {  	[tilespmem:s28], [sflag:$0x2] =	stream.strided.gather [hbm4b:s20+s23], $0x1000, s22, s23, $0x38;
	[tilespmem:$0x15200] =	vst v63  }
0x40: {  	s28 =	spop (v2sf)  }
0x41: {  	(v2sf) =	vpush v3, $0x3;
	s20 =	sand.u32 $0xFFFFF80, s28  }
0x42: {  	s20 =	sadd.s32 s2, s20  }
0x43: {  	[tilespmem:s29], [sflag:$0xA] =	stream.strided.gather [hbm4b:s20+s23], $0x1000, s22, s23, $0x38;
	[tilespmem:$0x15200] =	vst v63  }
0x44: {  	s29 =	spop (v2sf)  }
0x45: {  	(v2sf) =	vpush v2, $0x4;
	s20 =	sand.u32 $0xFFFFF80, s29  }
0x46: {  	s20 =	sadd.s32 s1, s20  }
0x47: {  	[tilespmem:s30], [sflag:$0x3] =	stream.strided.gather [hbm4b:s20+s23], $0x1000, s22, s23, $0x38;
	[tilespmem:$0x15200] =	vst v63  }
0x48: {  	s30 =	spop (v2sf)  }
0x49: {  	(v2sf) =	vpush v3, $0x4;
	s20 =	sand.u32 $0xFFFFF80, s30  }
0x4a: {  	s20 =	sadd.s32 s2, s20  }
0x4b: {  	[tilespmem:s31], [sflag:$0xB] =	stream.strided.gather [hbm4b:s20+s23], $0x1000, s22, s23, $0x38;
	[tilespmem:$0x15200] =	vst v63  }
0x4c: {  	(v2sf) =	vpush v2, $0x5;
	s31 =	spop (v2sf)  }
0x4d: {  	s20 =	sand.u32 $0xFFFFF80, s31  }
0x4e: {  	(v2sf) =	vpush v3, $0x5;
	s20 =	sadd.s32 s1, s20  }
0x4f: {  	[tilespmem:s3], [sflag:$0x4] =	stream.strided.gather [hbm4b:s20+s23], $0x1000, s22, s23, $0x38;
	[tilespmem:$0x15200] =	vst v63  }
0x50: {  	s3 =	spop (v2sf)  }
0x51: {  	(v2sf) =	vpush v2, $0x6;
	s20 =	sand.u32 $0xFFFFF80, s3  }
0x52: {  	s20 =	sadd.s32 s2, s20  }
0x53: {  	[tilespmem:s5], [sflag:$0xC] =	stream.strided.gather [hbm4b:s20+s23], $0x1000, s22, s23, $0x38;
	[tilespmem:$0x15200] =	vst v63  }
0x54: {  	s5 =	spop (v2sf)  }
0x55: {  	s20 =	sand.u32 $0xFFFFF80, s5  }
0x56: {  	(v2sf) =	vpush v3, $0x6;
	s20 =	sadd.s32 s1, s20  }
0x57: {  	[tilespmem:s6], [sflag:$0x5] =	stream.strided.gather [hbm4b:s20+s23], $0x1000, s22, s23, $0x38;
	[tilespmem:$0x15200] =	vst v63  }
0x58: {  	s6 =	spop (v2sf);
	(v2sf) =	vpush v2, $0x7;
	_ =	sdelay $0x1  }
0x59: {  	s20 =	sand.u32 $0xFFFFF80, s6  }
0x5a: {  	s11 =	spop (v2sf);
	(v2sf) =	vpush v3, $0x7;
	s20 =	sadd.s32 s2, s20  }
0x5b: {  	[tilespmem:s7], [sflag:$0xD] =	stream.strided.gather [hbm4b:s20+s23], $0x1000, s22, s23, $0x38;
	[tilespmem:$0x15200] =	vst v63  }
0x5c: {  	s20 =	sand.u32 $0xFFFFF80, s11;
	s12 =	spop (v2sf)  }
0x5d: {  	s20 =	sadd.s32 s1, s20;
	s21 =	sand.u32 $0xFFFFF80, s12  }
0x5e: {  	[tilespmem:s8], [sflag:$0x6] =	stream.strided.gather [hbm4b:s20+s23], $0x1000, s22, s23, $0x38;
	[tilespmem:$0x15200] =	vst v63  }
0x5f: {  	s20 =	sadd.s32 s2, s21;
	s24 =	spop (v2sf)  }
0x60: {  	[tilespmem:s9], [sflag:$0xE] =	stream.strided.gather [hbm4b:s20+s23], $0x1000, s22, s23, $0x38;
	[tilespmem:$0x15200] =	vst v63  }
0x61: {  	s25 =	sand.u32 $0xFFFFF80, s24  }
0x62: {  	s20 =	sadd.s32 s1, s25  }
0x63: {  	[tilespmem:s4], [sflag:$0x7] =	stream.strided.gather [hbm4b:s20+s23], $0x1000, s22, s23, $0x38;
	[tilespmem:$0x15200] =	vst v63  }
0x64: {  	s26 =	spop (v2sf)  }
0x65: {  	s28 =	sand.u32 $0xFFFFF80, s26  }
0x66: {  	s20 =	sadd.s32 s2, s28;
	s29 =	spop (v2sf)  }
0x67: {  	[tilespmem:s10], [sflag:$0xF] =	stream.strided.gather [hbm4b:s20+s23], $0x1000, s22, s23, $0x38;
	[tilespmem:$0x15200] =	vst v63  }
0x68: {  	s30 =	sand.u32 $0xFFFFF80, s29  }
0x69: {  	s31 =	spop (v2sf);
	s20 =	sadd.s32 s1, s30  }
0x6a: {  	[tilespmem:s13], [sflag:$0x8] =	stream.strided.gather [hbm4b:s20+s23], $0x1000, s22, s23, $0x38;
	[tilespmem:$0x15200] =	vst v63  }
0x6b: {  	s20 =	sand.u32 $0xFFFFF80, s31  }
0x6c: {  	s21 =	simm.s32 $0x0;
	s13 =	simm.s32 $0x7200;
	s20 =	sadd.s32 s2, s20  }
0x6d: {  	[tilespmem:s14], [sflag:$0x10] =	stream.strided.gather [hbm4b:s20+s23], $0x1000, s22, s23, $0x38;
	[tilespmem:$0x15200] =	vst v63  }
0x6e: {  	s20 =	simm.s32 $0x10400;
	s22 =	simm.s32 $0x7;
	s14 =	simm.s32 $0xF200  }
.LBB2_2:
0x6f: {  	v2 =	vld [tilespmem:s21+$0x0];
	s3 =	simm.s32 $0x1  }
0x70: {  	v3 =	vld [tilespmem:s19+$0x0];
	_ =	swait.ge [sflag:s3], $0x1000  }
0x71: {  	[sflag:s3] =	ssyncset.done $0x0  }
0x72: {  	s25 =	simm.s32 $0x9;
	[sflag:s3] =	ssyncadd.s32 $0xFFFFF000  }
0x73: {  	_ =	swait.ge [sflag:s25], $0x1000  }
0x74: {  	(v2sf) =	vpush v2, $0x0;
	_ =	sdelay $0x6  }
0x75: {  	(v2sf) =	vpush v3, $0x0;
	_ =	sdelay $0x7  }
0x76: {  	s23 =	spop (v2sf)  }
0x77: {  	s23 =	sand.u32 $0x7F, s23  }
0x78: {  	p0 =	seq.s32 s22, $0x7F;
	v4 =	vor.u32 s23, v0  }
0x79: {  	(v2sf) =	vpush @!p0 v2, $0x8;
	v5 =	vor.u32 s23, v1;
	_ =	sdelay $0x1  }
0x7a: {  	[sflag:s25] =	ssyncset.done $0x0  }
0x7b: {  	s24 =	simm.s32 $0x200;
	[sflag:s25] =	ssyncadd.s32 $0xFFFFF000  }
0x7c: {  	s26 =	spop (v2sf);
	(v2sf) =	vpush @!p0 v3, $0x8;
	v4 =	vld.idx.msk [tilespmem:v4+s24+$0x0], $0xffff  }
0x7d: {  	s23 =	sand.u32 $0x7F, s26;
	v5 =	vld.idx.msk [tilespmem:v5+s24+$0x0], $0xffff  }
0x7e: {  	s3 =	sadd.s32 $0xFFFFFFF9, s22;
	v6 =	vor.u32 s23, v0  }
0x7f: {  	v7 =	vmov s3;
	v8 =	vor.u32 s23, v1  }
0x80: {  	v7 =	vand.u32 $0x78, v7  }
0x81: {  	[tilespmem:s20+$0xFFFFFE00] =	vst v4;
	v4 =	vbroadcast v7, $0x0  }
0x82: {  	s4 =	simm.s32 $0x8200;
	[tilespmem:s20+$0xFFFFFE10] =	vst v5  }
0x83: {  	v5 =	vld.idx.msk [tilespmem:v6+s4+$0x0], $0xffff;
	v28 =	vor.u32 v0, v4  }
0x84: {  	v29 =	vld.idx.msk [tilespmem:v8+s4+$0x0], $0xffff;
	v4 =	vor.u32 v1, v4;
	_ =	sdelay $0x2  }
0x85: {  	s23 =	spop @!p0 (v2sf)  }
0x86: {  	s26 =	simm.s32 @!p0 $0x200;
	s23 =	sand.u32 @!p0 $0xFFFFF80, s23;
	[tilespmem:v28+s0+$0x0] =	vst.idx.msk $0xffff, v5  }
0x87: {  	s24 =	simm.s32 @!p0 $0x7A1400;
	s25 =	sadd.s32 @!p0 s1, s23;
	s23 =	simm.s32 @!p0 $0x400;
	[tilespmem:v4+s0+$0x0] =	vst.idx.msk $0xffff, v29  }
0x88: {  	[tilespmem:s26], [sflag:$0x1] =	stream.strided.gather @!p0 [hbm4b:s25+s23], $0x1000, s24, s23, $0x38;
	[tilespmem:$0x15200] =	vst v63  }
0x89: {  	s25 =	spop @!p0 (v2sf)  }
0x8a: {  	s25 =	sand.u32 @!p0 $0xFFFFF80, s25  }
0x8b: {  	s5 =	simm.s32 $0x2;
	s26 =	simm.s32 @!p0 $0x8200;
	s25 =	sadd.s32 @!p0 s2, s25  }
0x8c: {  	[tilespmem:s26], [sflag:$0x9] =	stream.strided.gather @!p0 [hbm4b:s25+s23], $0x1000, s24, s23, $0x38;
	[tilespmem:$0x15200] =	vst v63  }
0x8d: {  	_ =	swait.ge [sflag:s5], $0x1000  }
0x8e: {  	[sflag:s5] =	ssyncset.done $0x0  }
0x8f: {  	s6 =	simm.s32 $0xA;
	[sflag:s5] =	ssyncadd.s32 $0xFFFFF000  }
0x90: {  	_ =	swait.ge [sflag:s6], $0x1000  }
0x91: {  	(v2sf) =	vpush v2, $0x1;
	_ =	sdelay $0x6  }
0x92: {  	(v2sf) =	vpush v3, $0x1;
	_ =	sdelay $0x7  }
0x93: {  	s7 =	spop (v2sf)  }
0x94: {  	s25 =	sand.u32 $0x7F, s7  }
0x95: {  	v4 =	vor.u32 s25, v0  }
0x96: {  	(v2sf) =	vpush @!p0 v2, $0x9;
	v5 =	vor.u32 s25, v1;
	_ =	sdelay $0x1  }
0x97: {  	[sflag:s6] =	ssyncset.done $0x0  }
0x98: {  	s8 =	simm.s32 $0x1200;
	[sflag:s6] =	ssyncadd.s32 $0xFFFFF000  }
0x99: {  	s9 =	spop (v2sf);
	(v2sf) =	vpush @!p0 v3, $0x9;
	v4 =	vld.idx.msk [tilespmem:v4+s8+$0x0], $0xffff  }
0x9a: {  	s25 =	sand.u32 $0x7F, s9;
	v5 =	vld.idx.msk [tilespmem:v5+s8+$0x0], $0xffff  }
0x9b: {  	s10 =	sadd.s32 $0xFFFFFFFA, s22;
	v30 =	vor.u32 s25, v0  }
0x9c: {  	v31 =	vmov s10;
	v32 =	vor.u32 s25, v1  }
0x9d: {  	v7 =	vand.u32 $0x79, v31  }
0x9e: {  	[tilespmem:s20+$0xFFFFFE80] =	vst v4;
	v4 =	vbroadcast v7, $0x0  }
0x9f: {  	s3 =	simm.s32 $0x9200;
	[tilespmem:s20+$0xFFFFFE90] =	vst v5  }
0xa0: {  	v5 =	vld.idx.msk [tilespmem:v30+s3+$0x0], $0xffff;
	v33 =	vor.u32 v0, v4  }
0xa1: {  	v34 =	vld.idx.msk [tilespmem:v32+s3+$0x0], $0xffff;
	v4 =	vor.u32 v1, v4;
	_ =	sdelay $0x2  }
0xa2: {  	s25 =	spop @!p0 (v2sf)  }
0xa3: {  	s25 =	sand.u32 @!p0 $0xFFFFF80, s25;
	[tilespmem:v33+s0+$0x0] =	vst.idx.msk $0xffff, v5  }
0xa4: {  	s26 =	simm.s32 @!p0 $0x1200;
	s25 =	sadd.s32 @!p0 s1, s25;
	[tilespmem:v4+s0+$0x0] =	vst.idx.msk $0xffff, v34  }
0xa5: {  	[tilespmem:s26], [sflag:$0x2] =	stream.strided.gather @!p0 [hbm4b:s25+s23], $0x1000, s24, s23, $0x38;
	[tilespmem:$0x15200] =	vst v63  }
0xa6: {  	s25 =	spop @!p0 (v2sf)  }
0xa7: {  	s25 =	sand.u32 @!p0 $0xFFFFF80, s25  }
0xa8: {  	s4 =	simm.s32 $0x3;
	s26 =	simm.s32 @!p0 $0x9200;
	s25 =	sadd.s32 @!p0 s2, s25  }
0xa9: {  	[tilespmem:s26], [sflag:$0xA] =	stream.strided.gather @!p0 [hbm4b:s25+s23], $0x1000, s24, s23, $0x38;
	[tilespmem:$0x15200] =	vst v63  }
0xaa: {  	_ =	swait.ge [sflag:s4], $0x1000  }
0xab: {  	[sflag:s4] =	ssyncset.done $0x0  }
0xac: {  	s5 =	simm.s32 $0xB;
	[sflag:s4] =	ssyncadd.s32 $0xFFFFF000  }
0xad: {  	_ =	swait.ge [sflag:s5], $0x1000  }
0xae: {  	(v2sf) =	vpush v2, $0x2;
	_ =	sdelay $0x6  }
0xaf: {  	(v2sf) =	vpush v3, $0x2;
	_ =	sdelay $0x7  }
0xb0: {  	s6 =	spop (v2sf)  }
0xb1: {  	s25 =	sand.u32 $0x7F, s6  }
0xb2: {  	v4 =	vor.u32 s25, v0  }
0xb3: {  	(v2sf) =	vpush @!p0 v2, $0xA;
	v5 =	vor.u32 s25, v1;
	_ =	sdelay $0x1  }
0xb4: {  	[sflag:s5] =	ssyncset.done $0x0  }
0xb5: {  	s7 =	simm.s32 $0x2200;
	[sflag:s5] =	ssyncadd.s32 $0xFFFFF000  }
0xb6: {  	s8 =	spop (v2sf);
	(v2sf) =	vpush @!p0 v3, $0xA;
	v4 =	vld.idx.msk [tilespmem:v4+s7+$0x0], $0xffff  }
0xb7: {  	s25 =	sand.u32 $0x7F, s8;
	v5 =	vld.idx.msk [tilespmem:v5+s7+$0x0], $0xffff  }
0xb8: {  	s9 =	sadd.s32 $0xFFFFFFFB, s22;
	v35 =	vor.u32 s25, v0  }
0xb9: {  	v36 =	vmov s9;
	v37 =	vor.u32 s25, v1  }
0xba: {  	v7 =	vand.u32 $0x7A, v36  }
0xbb: {  	[tilespmem:s20+$0xFFFFFF00] =	vst v4;
	v4 =	vbroadcast v7, $0x0  }
0xbc: {  	s10 =	simm.s32 $0xA200;
	[tilespmem:s20+$0xFFFFFF10] =	vst v5  }
0xbd: {  	v5 =	vld.idx.msk [tilespmem:v35+s10+$0x0], $0xffff;
	v38 =	vor.u32 v0, v4  }
0xbe: {  	v39 =	vld.idx.msk [tilespmem:v37+s10+$0x0], $0xffff;
	v4 =	vor.u32 v1, v4;
	_ =	sdelay $0x2  }
0xbf: {  	s25 =	spop @!p0 (v2sf)  }
0xc0: {  	s25 =	sand.u32 @!p0 $0xFFFFF80, s25;
	[tilespmem:v38+s0+$0x0] =	vst.idx.msk $0xffff, v5  }
0xc1: {  	s26 =	simm.s32 @!p0 $0x2200;
	s25 =	sadd.s32 @!p0 s1, s25;
	[tilespmem:v4+s0+$0x0] =	vst.idx.msk $0xffff, v39  }
0xc2: {  	[tilespmem:s26], [sflag:$0x3] =	stream.strided.gather @!p0 [hbm4b:s25+s23], $0x1000, s24, s23, $0x38;
	[tilespmem:$0x15200] =	vst v63  }
0xc3: {  	s25 =	spop @!p0 (v2sf)  }
0xc4: {  	s25 =	sand.u32 @!p0 $0xFFFFF80, s25  }
0xc5: {  	s26 =	simm.s32 @!p0 $0xA200;
	s25 =	sadd.s32 @!p0 s2, s25  }
0xc6: {  	[tilespmem:s26], [sflag:$0xB] =	stream.strided.gather @!p0 [hbm4b:s25+s23], $0x1000, s24, s23, $0x38;
	[tilespmem:$0x15200] =	vst v63  }
0xc7: {  	s25 =	simm.s32 $0x4  }
0xc8: {  	_ =	swait.ge [sflag:s25], $0x1000  }
0xc9: {  	[sflag:s25] =	ssyncset.done $0x0  }
0xca: {  	s26 =	simm.s32 $0xC;
	[sflag:s25] =	ssyncadd.s32 $0xFFFFF000  }
0xcb: {  	_ =	swait.ge [sflag:s26], $0x1000  }
0xcc: {  	(v2sf) =	vpush v2, $0x3;
	_ =	sdelay $0x6  }
0xcd: {  	(v2sf) =	vpush v3, $0x3;
	_ =	sdelay $0x7  }
0xce: {  	s4 =	spop (v2sf)  }
0xcf: {  	s25 =	sand.u32 $0x7F, s4  }
0xd0: {  	v4 =	vor.u32 s25, v0  }
0xd1: {  	(v2sf) =	vpush @!p0 v2, $0xB;
	v5 =	vor.u32 s25, v1;
	_ =	sdelay $0x1  }
0xd2: {  	[sflag:s26] =	ssyncset.done $0x0  }
0xd3: {  	s5 =	simm.s32 $0x3200;
	[sflag:s26] =	ssyncadd.s32 $0xFFFFF000  }
0xd4: {  	s6 =	spop (v2sf);
	(v2sf) =	vpush @!p0 v3, $0xB;
	v4 =	vld.idx.msk [tilespmem:v4+s5+$0x0], $0xffff  }
0xd5: {  	s25 =	sand.u32 $0x7F, s6;
	v5 =	vld.idx.msk [tilespmem:v5+s5+$0x0], $0xffff  }
0xd6: {  	s7 =	sadd.s32 $0xFFFFFFFC, s22;
	v40 =	vor.u32 s25, v0  }
0xd7: {  	v41 =	vmov s7;
	v42 =	vor.u32 s25, v1  }
0xd8: {  	v7 =	vand.u32 $0x7B, v41  }
0xd9: {  	[tilespmem:s20+$0xFFFFFF80] =	vst v4;
	v4 =	vbroadcast v7, $0x0  }
0xda: {  	s8 =	simm.s32 $0xB200;
	[tilespmem:s20+$0xFFFFFF90] =	vst v5  }
0xdb: {  	v5 =	vld.idx.msk [tilespmem:v40+s8+$0x0], $0xffff;
	v43 =	vor.u32 v0, v4  }
0xdc: {  	v44 =	vld.idx.msk [tilespmem:v42+s8+$0x0], $0xffff;
	v4 =	vor.u32 v1, v4;
	_ =	sdelay $0x2  }
0xdd: {  	s25 =	spop @!p0 (v2sf)  }
0xde: {  	s25 =	sand.u32 @!p0 $0xFFFFF80, s25;
	[tilespmem:v43+s0+$0x0] =	vst.idx.msk $0xffff, v5  }
0xdf: {  	s26 =	simm.s32 @!p0 $0x3200;
	s25 =	sadd.s32 @!p0 s1, s25;
	[tilespmem:v4+s0+$0x0] =	vst.idx.msk $0xffff, v44  }
0xe0: {  	[tilespmem:s26], [sflag:$0x4] =	stream.strided.gather @!p0 [hbm4b:s25+s23], $0x1000, s24, s23, $0x38;
	[tilespmem:$0x15200] =	vst v63  }
0xe1: {  	s25 =	spop @!p0 (v2sf)  }
0xe2: {  	s25 =	sand.u32 @!p0 $0xFFFFF80, s25  }
0xe3: {  	s4 =	simm.s32 $0x5;
	s26 =	simm.s32 @!p0 $0xB200;
	s25 =	sadd.s32 @!p0 s2, s25  }
0xe4: {  	[tilespmem:s26], [sflag:$0xC] =	stream.strided.gather @!p0 [hbm4b:s25+s23], $0x1000, s24, s23, $0x38;
	[tilespmem:$0x15200] =	vst v63  }
0xe5: {  	_ =	swait.ge [sflag:s4], $0x1000  }
0xe6: {  	[sflag:s4] =	ssyncset.done $0x0  }
0xe7: {  	s9 =	simm.s32 $0xD;
	[sflag:s4] =	ssyncadd.s32 $0xFFFFF000  }
0xe8: {  	_ =	swait.ge [sflag:s9], $0x1000  }
0xe9: {  	(v2sf) =	vpush v2, $0x4;
	_ =	sdelay $0x6  }
0xea: {  	(v2sf) =	vpush v3, $0x4;
	_ =	sdelay $0x7  }
0xeb: {  	s10 =	spop (v2sf)  }
0xec: {  	s25 =	sand.u32 $0x7F, s10  }
0xed: {  	v4 =	vor.u32 s25, v0  }
0xee: {  	(v2sf) =	vpush @!p0 v2, $0xC;
	v5 =	vor.u32 s25, v1;
	_ =	sdelay $0x1  }
0xef: {  	[sflag:s9] =	ssyncset.done $0x0  }
0xf0: {  	[sflag:s9] =	ssyncadd.s32 $0xFFFFF000;
	s25 =	simm.s32 $0x4200  }
0xf1: {  	s4 =	spop (v2sf);
	(v2sf) =	vpush @!p0 v3, $0xC;
	v4 =	vld.idx.msk [tilespmem:v4+s25+$0x0], $0xffff  }
0xf2: {  	v5 =	vld.idx.msk [tilespmem:v5+s25+$0x0], $0xffff;
	s25 =	sand.u32 $0x7F, s4  }
0xf3: {  	s7 =	sadd.s32 $0xFFFFFFFD, s22;
	v45 =	vor.u32 s25, v0  }
0xf4: {  	v46 =	vmov s7;
	v47 =	vor.u32 s25, v1  }
0xf5: {  	v7 =	vand.u32 $0x7C, v46  }
0xf6: {  	[tilespmem:s20+$0x0] =	vst v4;
	v4 =	vbroadcast v7, $0x0  }
0xf7: {  	s8 =	simm.s32 $0xC200;
	[tilespmem:s20+$0x10] =	vst v5  }
0xf8: {  	v5 =	vld.idx.msk [tilespmem:v45+s8+$0x0], $0xffff;
	v48 =	vor.u32 v0, v4  }
0xf9: {  	v49 =	vld.idx.msk [tilespmem:v47+s8+$0x0], $0xffff;
	v4 =	vor.u32 v1, v4;
	_ =	sdelay $0x2  }
0xfa: {  	s25 =	spop @!p0 (v2sf)  }
0xfb: {  	s25 =	sand.u32 @!p0 $0xFFFFF80, s25;
	[tilespmem:v48+s0+$0x0] =	vst.idx.msk $0xffff, v5  }
0xfc: {  	s26 =	simm.s32 @!p0 $0x4200;
	s25 =	sadd.s32 @!p0 s1, s25;
	[tilespmem:v4+s0+$0x0] =	vst.idx.msk $0xffff, v49  }
0xfd: {  	[tilespmem:s26], [sflag:$0x5] =	stream.strided.gather @!p0 [hbm4b:s25+s23], $0x1000, s24, s23, $0x38;
	[tilespmem:$0x15200] =	vst v63  }
0xfe: {  	s25 =	spop @!p0 (v2sf)  }
0xff: {  	s25 =	sand.u32 @!p0 $0xFFFFF80, s25  }
0x100: {  	s9 =	simm.s32 $0x6;
	s26 =	simm.s32 @!p0 $0xC200;
	s25 =	sadd.s32 @!p0 s2, s25  }
0x101: {  	[tilespmem:s26], [sflag:$0xD] =	stream.strided.gather @!p0 [hbm4b:s25+s23], $0x1000, s24, s23, $0x38;
	[tilespmem:$0x15200] =	vst v63  }
0x102: {  	_ =	swait.ge [sflag:s9], $0x1000  }
0x103: {  	[sflag:s9] =	ssyncset.done $0x0  }
0x104: {  	s10 =	simm.s32 $0xE;
	[sflag:s9] =	ssyncadd.s32 $0xFFFFF000  }
0x105: {  	_ =	swait.ge [sflag:s10], $0x1000  }
0x106: {  	(v2sf) =	vpush v2, $0x5;
	_ =	sdelay $0x6  }
0x107: {  	(v2sf) =	vpush v3, $0x5;
	_ =	sdelay $0x7  }
0x108: {  	s26 =	spop (v2sf)  }
0x109: {  	s25 =	sand.u32 $0x7F, s26  }
0x10a: {  	v4 =	vor.u32 s25, v0  }
0x10b: {  	(v2sf) =	vpush @!p0 v2, $0xD;
	v5 =	vor.u32 s25, v1;
	_ =	sdelay $0x1  }
0x10c: {  	[sflag:s10] =	ssyncset.done $0x0  }
0x10d: {  	s4 =	simm.s32 $0x5200;
	[sflag:s10] =	ssyncadd.s32 $0xFFFFF000  }
0x10e: {  	s9 =	spop (v2sf);
	(v2sf) =	vpush @!p0 v3, $0xD;
	v4 =	vld.idx.msk [tilespmem:v4+s4+$0x0], $0xffff  }
0x10f: {  	s25 =	sand.u32 $0x7F, s9;
	v5 =	vld.idx.msk [tilespmem:v5+s4+$0x0], $0xffff  }
0x110: {  	s10 =	sadd.s32 $0xFFFFFFFE, s22;
	v50 =	vor.u32 s25, v0  }
0x111: {  	v51 =	vmov s10;
	v52 =	vor.u32 s25, v1  }
0x112: {  	v7 =	vand.u32 $0x7D, v51  }
0x113: {  	[tilespmem:s20+$0x80] =	vst v4;
	v4 =	vbroadcast v7, $0x0  }
0x114: {  	s4 =	simm.s32 $0xD200;
	[tilespmem:s20+$0x90] =	vst v5  }
0x115: {  	v5 =	vld.idx.msk [tilespmem:v50+s4+$0x0], $0xffff;
	v53 =	vor.u32 v0, v4  }
0x116: {  	v54 =	vld.idx.msk [tilespmem:v52+s4+$0x0], $0xffff;
	v4 =	vor.u32 v1, v4;
	_ =	sdelay $0x2  }
0x117: {  	s25 =	spop @!p0 (v2sf)  }
0x118: {  	s25 =	sand.u32 @!p0 $0xFFFFF80, s25;
	[tilespmem:v53+s0+$0x0] =	vst.idx.msk $0xffff, v5  }
0x119: {  	s26 =	simm.s32 @!p0 $0x5200;
	s25 =	sadd.s32 @!p0 s1, s25;
	[tilespmem:v4+s0+$0x0] =	vst.idx.msk $0xffff, v54  }
0x11a: {  	[tilespmem:s26], [sflag:$0x6] =	stream.strided.gather @!p0 [hbm4b:s25+s23], $0x1000, s24, s23, $0x38;
	[tilespmem:$0x15200] =	vst v63  }
0x11b: {  	s25 =	spop @!p0 (v2sf)  }
0x11c: {  	s25 =	sand.u32 @!p0 $0xFFFFF80, s25  }
0x11d: {  	s26 =	simm.s32 @!p0 $0xD200;
	s25 =	sadd.s32 @!p0 s2, s25  }
0x11e: {  	[tilespmem:s26], [sflag:$0xE] =	stream.strided.gather @!p0 [hbm4b:s25+s23], $0x1000, s24, s23, $0x38;
	[tilespmem:$0x15200] =	vst v63  }
0x11f: {  	_ =	swait.ge [sflag:s15], $0x1000  }
0x120: {  	[sflag:s15] =	ssyncset.done $0x0  }
0x121: {  	[sflag:s15] =	ssyncadd.s32 $0xFFFFF000  }
0x122: {  	_ =	swait.ge [sflag:s16], $0x1000  }
0x123: {  	(v2sf) =	vpush v2, $0x6;
	_ =	sdelay $0x6  }
0x124: {  	(v2sf) =	vpush v3, $0x6;
	_ =	sdelay $0x7  }
0x125: {  	s10 =	spop (v2sf)  }
0x126: {  	s25 =	sand.u32 $0x7F, s10  }
0x127: {  	v4 =	vor.u32 s25, v0  }
0x128: {  	(v2sf) =	vpush @!p0 v2, $0xE;
	v5 =	vor.u32 s25, v1;
	_ =	sdelay $0x1  }
0x129: {  	[sflag:s16] =	ssyncset.done $0x0  }
0x12a: {  	[sflag:s16] =	ssyncadd.s32 $0xFFFFF000;
	s25 =	simm.s32 $0x6200  }
0x12b: {  	s10 =	spop (v2sf);
	(v2sf) =	vpush @!p0 v3, $0xE;
	v4 =	vld.idx.msk [tilespmem:v4+s25+$0x0], $0xffff  }
0x12c: {  	v5 =	vld.idx.msk [tilespmem:v5+s25+$0x0], $0xffff;
	s25 =	sand.u32 $0x7F, s10  }
0x12d: {  	s10 =	sadd.s32 $0xFFFFFFFF, s22;
	v55 =	vor.u32 s25, v0  }
0x12e: {  	v56 =	vmov s10;
	v57 =	vor.u32 s25, v1  }
0x12f: {  	v7 =	vand.u32 $0x7E, v56  }
0x130: {  	[tilespmem:s20+$0x100] =	vst v4;
	v4 =	vbroadcast v7, $0x0  }
0x131: {  	s26 =	simm.s32 $0xE200;
	[tilespmem:s20+$0x110] =	vst v5  }
0x132: {  	v5 =	vld.idx.msk [tilespmem:v55+s26+$0x0], $0xffff;
	v58 =	vor.u32 v0, v4  }
0x133: {  	v59 =	vld.idx.msk [tilespmem:v57+s26+$0x0], $0xffff;
	v4 =	vor.u32 v1, v4;
	_ =	sdelay $0x2  }
0x134: {  	s25 =	spop @!p0 (v2sf)  }
0x135: {  	s25 =	sand.u32 @!p0 $0xFFFFF80, s25;
	[tilespmem:v58+s0+$0x0] =	vst.idx.msk $0xffff, v5  }
0x136: {  	s26 =	simm.s32 @!p0 $0x6200;
	s25 =	sadd.s32 @!p0 s1, s25;
	[tilespmem:v4+s0+$0x0] =	vst.idx.msk $0xffff, v59  }
0x137: {  	[tilespmem:s26], [sflag:$0x7] =	stream.strided.gather @!p0 [hbm4b:s25+s23], $0x1000, s24, s23, $0x38;
	[tilespmem:$0x15200] =	vst v63  }
0x138: {  	s25 =	spop @!p0 (v2sf)  }
0x139: {  	s25 =	sand.u32 @!p0 $0xFFFFF80, s25  }
0x13a: {  	s26 =	simm.s32 @!p0 $0xE200;
	s25 =	sadd.s32 @!p0 s2, s25  }
0x13b: {  	[tilespmem:s26], [sflag:$0xF] =	stream.strided.gather @!p0 [hbm4b:s25+s23], $0x1000, s24, s23, $0x38;
	[tilespmem:$0x15200] =	vst v63  }
0x13c: {  	_ =	swait.ge [sflag:s17], $0x1000  }
0x13d: {  	[sflag:s17] =	ssyncset.done $0x0  }
0x13e: {  	[sflag:s17] =	ssyncadd.s32 $0xFFFFF000  }
0x13f: {  	_ =	swait.ge [sflag:s18], $0x1000  }
0x140: {  	(v2sf) =	vpush v2, $0x7;
	_ =	sdelay $0x6  }
0x141: {  	(v2sf) =	vpush v3, $0x7;
	_ =	sdelay $0x7  }
0x142: {  	s25 =	spop (v2sf)  }
0x143: {  	s23 =	sand.u32 $0x7F, s25  }
0x144: {  	v4 =	vor.u32 s23, v0  }
0x145: {  	v5 =	vor.u32 s23, v1;
	_ =	sdelay $0x1  }
0x146: {  	[sflag:s18] =	ssyncset.done $0x0  }
0x147: {  	[sflag:s18] =	ssyncadd.s32 $0xFFFFF000  }
0x148: {  	s26 =	spop (v2sf);
	v4 =	vld.idx.msk [tilespmem:v4+s13+$0x0], $0xffff  }
0x149: {  	s23 =	sand.u32 $0x7F, s26;
	v5 =	vld.idx.msk [tilespmem:v5+s13+$0x0], $0xffff  }
0x14a: {  	v60 =	vor.u32 s23, v0  }
0x14b: {  	v62 =	vmov s22;
	v61 =	vor.u32 s23, v1  }
0x14c: {  	v8 =	vand.u32 $0x7F, v62  }
0x14d: {  	[tilespmem:s20+$0x180] =	vst v4;
	v4 =	vbroadcast v8, $0x0  }
0x14e: {  	[tilespmem:s20+$0x190] =	vst v5  }
0x14f: {  	v5 =	vld.idx.msk [tilespmem:v60+s14+$0x0], $0xffff;
	v63 =	vor.u32 v0, v4  }
0x150: {  	s12 =	simm.s32 $0x200;
	s11 =	simm.s32 $0x8200;
	v7 =	vld.idx.msk [tilespmem:v61+s14+$0x0], $0xffff;
	v4 =	vor.u32 v1, v4  }
.Ltmp2:
0x151: {  	s28 =	simm.s32 $0x1200;
	s29 =	simm.s32 $0x9200;
	(pc) =	sbr.rel @p0 .LBB2_4-.Ltmp2, $4  }
0x152: {  	s30 =	simm.s32 $0x2200;
	s31 =	simm.s32 $0xA200;
	s3 =	simm.s32 $0x3200  }
0x153: {  	s7 =	simm.s32 $0xC200;
	s6 =	simm.s32 $0x4200;
	s5 =	simm.s32 $0xB200  }
0x154: {  	s8 =	simm.s32 $0x5200;
	s9 =	simm.s32 $0xD200;
	s4 =	simm.s32 $0x6200;
	[tilespmem:v63+s0+$0x0] =	vst.idx.msk $0xffff, v5  }
0x155: {  	s10 =	simm.s32 $0xE200;
	s13 =	simm.s32 $0x7200;
	s14 =	simm.s32 $0xF200;
	[tilespmem:v4+s0+$0x0] =	vst.idx.msk $0xffff, v7  }
0x156: {  	(v2sf) =	vpush v2, $0xF;
	_ =	sdelay $0x3  }
0x157: {  	(v2sf) =	vpush v3, $0xF;
	_ =	sdelay $0xa  }
0x158: {  	s23 =	spop (v2sf)  }
0x159: {  	s23 =	sand.u32 $0xFFFFF80, s23  }
0x15a: {  	s12 =	simm.s32 $0x7A1400;
	s11 =	simm.s32 $0x400;
	s23 =	sadd.s32 s1, s23  }
0x15b: {  	[tilespmem:s13], [sflag:$0x8] =	stream.strided.gather [hbm4b:s23+s11], $0x1000, s12, s11, $0x38;
	[tilespmem:$0x15200] =	vst v63  }
.Ltmp3:
0x15c: {  	s31 =	spop (v2sf);
	(pc) =	sbr.rel .LBB2_2-.Ltmp3, $4  }
0x15d: {  	s22 =	sadd.s32 $0x8, s22;
	s23 =	sand.u32 $0xFFFFF80, s31  }
0x15e: {  	s19 =	sadd.s32 $0x8, s19;
	s21 =	sadd.s32 $0x8, s21;
	s23 =	sadd.s32 s2, s23  }
0x15f: {  	[tilespmem:s14], [sflag:$0x10] =	stream.strided.gather [hbm4b:s23+s11], $0x1000, s12, s11, $0x38;
	[tilespmem:$0x15200] =	vst v63  }
0x160: {  	s20 =	sadd.s32 $0x400, s20;
	s13 =	simm.s32 $0x7200;
	s14 =	simm.s32 $0xF200  }
.LBB2_5:
0x161: {  	_ =	sfence.sel $0x180000  }
0x162: {  	[bflag:$0x0] =	sbarrier.arrive $0xFFFF  }
0x163: {  	_ =	strace $0x90000047  }
0x164: {  	s0 =	stileid.u32;
	[bflag:$0x2] =	sbarrier.arrive $0xFFFF  }
0x165: {  	p0 =	sne.s32 s0, $0x0;
	s0 =	rddreg [dreg:$0x6]  }
0x166: {  	s0 =	sadd.s32 @!p0 $0x100000, s0  }
0x167: {  	[sflag:s0] =	ssyncadd.tile.s32 @!p0 $0x1;
	_ =	shalt  }
.Lfunc_end2:
_tile_overlayer_lowered:
.L_overlay_start_2:
0x168: {  	(tag) =	ssettag $0x2  }
0x169: {  	s0 =	rddreg [dreg:$0x0];
	s2 =	stileid.u32  }
0x16a: {  	s1 =	rddreg [dreg:$0x1];
	p0 =	sne.s32 s2, $0x0  }
0x16b: {  	s3 =	rddreg [dreg:$0x2];
	[bflag:$0x3] =	sbarrier.arrive $0xFFFF;
	s2 =	simm.s32 @!p0 $0x1C11  }
0x16c: {  	[timem:s3], [sflag:s2] =	dma.local @!p0 [hbm:s0], s1  }
0x16d: {  	s0 =	simm.s32 @!p0 $0x11  }
0x16e: {  	_ =	swait.ge @!p0 [sflag:s0], s1  }
0x16f: {  	s1 =	ssub.s32 @!p0 $0x0, s1;
	[sflag:s0] =	ssyncset.done @!p0 $0x0  }
0x170: {  	[sflag:s0] =	ssyncadd.s32 @!p0 s1  }
0x171: {  	[bflag:$0x3] =	sbarrier.arrive $0xFFFF  }
0x172: {  	_ =	shalt  }

</sc_bundles>
